<compile_context>
chip_gen: v7x
topology: tpu7x:2x2x1
jax: 0.10.2.dev20260603
libtpu: 0.0.44.dev20260713+nightly
codegen_flags: <defaults>
</compile_context>

<pallas_src>
import functools
import math

import jax
import jax.numpy as jnp
from jax import lax
from jax.experimental import pallas as pl
from jax.experimental.pallas import tpu as pltpu
from jax.experimental.pallas import tpu_sc as plsc

N = 50000
E = 800000
EMBED = 64
HEADS = 8
DH = EMBED // HEADS

NB = 2000
EB = 6400
XROW = 16

F32 = jnp.float32
_PREC = lax.Precision.DEFAULT


def _dot(a, b):
    return jax.lax.dot_general(a, b, (((1,), (0,)), ((), ())),
                               precision=_PREC, preferred_element_type=F32)


def _jmat(width, seg):
    r = lax.broadcasted_iota(jnp.int32, (width, width), 0) // seg
    c = lax.broadcasted_iota(jnp.int32, (width, width), 1) // seg
    return (r == c).astype(F32) * (1.0 / seg)


def _ln_mxu(x, g, b, jm, eps=1e-5):
    c0 = x - _dot(x, jm)
    v = _dot(c0 * c0, jm)
    return c0 * lax.rsqrt(v + eps) * g + b


def _groups_mats(width, seg):
    p = width // seg
    r = lax.broadcasted_iota(jnp.int32, (width, p), 0) // seg
    c = lax.broadcasted_iota(jnp.int32, (width, p), 1)
    avg = (r == c).astype(F32) * (1.0 / seg)
    return avg, (avg * seg).T


def _lnc(xc, g, b, width, seg, eps=1e-5):
    avg, exp_m = _groups_mats(width, seg)
    v = _dot(xc * xc, avg)
    return xc * _dot(lax.rsqrt(v + eps), exp_m) * g + b


def _head_mat():
    r = lax.broadcasted_iota(jnp.int32, (EMBED, HEADS), 0) // DH
    c = lax.broadcasted_iota(jnp.int32, (EMBED, HEADS), 1)
    return (r == c).astype(F32)


def _p1_body(x_ref, rot_ref, bosf_ref, bosrow_ref, w2_ref, w64_ref, vec_ref,
             center_ref, h_ref, q_ref):
    x0 = x_ref[:, 0:1]
    x1 = x_ref[:, 1:2]
    rot = rot_ref[...]
    r00 = rot[:, 0:1]
    r01 = rot[:, 1:2]
    r10 = rot[:, 2:3]
    r11 = rot[:, 3:4]
    rx0 = x0 * r00 + x1 * r10
    rx1 = x0 * r01 + x1 * r11
    w2 = w2_ref[...]
    j1 = _jmat(EMBED, EMBED)
    h1 = rx0 * w2[0:1, :] + rx1 * w2[1:2, :] + vec_ref[0]
    h1 = jnp.maximum(_ln_mxu(h1, vec_ref[1], vec_ref[2], j1), 0.0)
    h2 = _dot(h1, w64_ref[0]) + vec_ref[3]
    h2 = jnp.maximum(_ln_mxu(h2, vec_ref[4], vec_ref[5], j1), 0.0)
    c0 = _ln_mxu(_dot(h2, w64_ref[1]) + vec_ref[6], vec_ref[7], vec_ref[8], j1)
    bosf = bosf_ref[:, 0:1]
    center = c0 * (1.0 - bosf) + bosrow_ref[...] * bosf
    h = _ln_mxu(center, vec_ref[9], vec_ref[10], j1)
    q = _dot(h, w64_ref[2]) + vec_ref[11]
    center_ref[...] = center
    h_ref[...] = h
    q_ref[...] = q


def _run_p1(x, rot4, bosf, bosrow, w2, w64, vec):
    grid = (N // NB,)
    return pl.pallas_call(
        _p1_body,
        grid=grid,
        in_specs=[
            pl.BlockSpec((NB, 2), lambda i: (i, 0)),
            pl.BlockSpec((NB, 4), lambda i: (i, 0)),
            pl.BlockSpec((NB, 1), lambda i: (i, 0)),
            pl.BlockSpec((1, EMBED), lambda i: (0, 0)),
            pl.BlockSpec((2, EMBED), lambda i: (0, 0)),
            pl.BlockSpec((3, EMBED, EMBED), lambda i: (0, 0, 0)),
            pl.BlockSpec((12, EMBED), lambda i: (0, 0)),
        ],
        out_specs=[
            pl.BlockSpec((NB, EMBED), lambda i: (i, 0)),
            pl.BlockSpec((NB, EMBED), lambda i: (i, 0)),
            pl.BlockSpec((NB, EMBED), lambda i: (i, 0)),
        ],
        out_shape=[
            jax.ShapeDtypeStruct((N, EMBED), F32),
            jax.ShapeDtypeStruct((N, EMBED), F32),
            jax.ShapeDtypeStruct((N, EMBED), F32),
        ],
    )(x, rot4, bosf, bosrow, w2, w64, vec)


_NSC = 2
_NSUB = 16


def _sc_mesh():
    return plsc.VectorSubcoreMesh(core_axis_name="c", subcore_axis_name="s",
                                  num_cores=_NSC, num_subcores=_NSUB)


_SC_PARAMS = pltpu.CompilerParams(use_tc_tiling_on_sc=False)
_NW = _NSC * _NSUB
_G_CH = 200
_G_EPW = E // _NW
_G_NIT = _G_EPW // _G_CH


def _gather_body(t_hbm, tx_hbm, dst_hbm, src_hbm, gd_hbm,
                 idxd_v, idxs_v, bufd, bufs, semd, sems):
    c = lax.axis_index("c")
    s = lax.axis_index("s")
    base = (c * _NSUB + s) * _G_EPW

    def body(i, carry):
        e0 = base + i * _G_CH
        pltpu.sync_copy(dst_hbm.at[pl.ds(e0, _G_CH)], idxd_v)
        pltpu.sync_copy(src_hbm.at[pl.ds(e0, _G_CH)], idxs_v)
        cd = pltpu.async_copy(t_hbm.at[idxd_v], bufd, semd)
        cs = pltpu.async_copy(tx_hbm.at[idxs_v], bufs, sems)
        cd.wait()
        cs.wait()

        def rotmul(j, carry2):
            bufd[j, pl.ds(80, 16)] = (bufs[j, pl.ds(0, 16)] *
                                      bufd[j, pl.ds(64, 16)])
            return carry2

        lax.fori_loop(0, _G_CH, rotmul, 0)
        pltpu.sync_copy(bufd, gd_hbm.at[pl.ds(e0, _G_CH)])
        return carry

    lax.fori_loop(0, _G_NIT, body, 0)


def _run_gather(t_tab, tx_tab, dst, src):
    f = functools.partial(
        pl.kernel,
        out_type=jax.ShapeDtypeStruct((E, 128), F32),
        mesh=_sc_mesh(),
        compiler_params=_SC_PARAMS,
        scratch_types=[
            pltpu.VMEM((_G_CH,), jnp.int32),
            pltpu.VMEM((_G_CH,), jnp.int32),
            pltpu.VMEM((_G_CH, 128), F32),
            pltpu.VMEM((_G_CH, XROW), F32),
            pltpu.SemaphoreType.DMA,
            pltpu.SemaphoreType.DMA,
        ],
    )(_gather_body)
    return f(t_tab, tx_tab, dst, src)


def _p3_body(gd_ref, ea_ref, w2_ref, wcat_ref, wal_ref, wkv_ref,
             vec_ref, cwv_ref, cae_ref):
    gd = gd_ref[...]
    q = gd[:, 0:EMBED]
    prod = jnp.concatenate(
        [gd[:, 80:84], ea_ref[...] * gd[:, 64:68]], axis=1)
    catc = _dot(prod, w2_ref[...]) + vec_ref[2]
    cat = jnp.maximum(_lnc(catc, vec_ref[0], vec_ref[1], 2 * EMBED, EMBED),
                      0.0)
    smc = _dot(cat, wcat_ref[...]) + vec_ref[3, 0:EMBED]
    t1 = jnp.maximum(
        _lnc(smc, vec_ref[3, EMBED:], vec_ref[4, 0:EMBED], EMBED, EMBED), 0.0)
    alc = _dot(t1, wal_ref[...]) + vec_ref[4, EMBED:]
    nbr = _lnc(alc, vec_ref[5, 0:EMBED], vec_ref[5, EMBED:], EMBED, EMBED)
    kv = _dot(nbr, wkv_ref[...]) + vec_ref[6]
    k = kv[:, 0:EMBED]
    v = kv[:, EMBED:]
    hm = _head_mat()
    alpha = _dot(q * k, hm) * (1.0 / math.sqrt(float(DH)))
    ae = jnp.exp(alpha)
    wv = v * _dot(ae, hm.T)
    cwv_ref[...] = jnp.concatenate([wv[0:EB // 2], wv[EB // 2:]], axis=1)
    aep = jnp.concatenate([ae, jnp.zeros((EB, 8), F32)], axis=1)
    k8 = EB // 8
    cae_ref[...] = jnp.concatenate(
        [aep[k * k8:(k + 1) * k8] for k in range(8)], axis=1)


def _run_p3(gd, ea, w2, wcat, wal, wkv, vec):
    grid = (E // EB,)
    return pl.pallas_call(
        _p3_body,
        grid=grid,
        in_specs=[
            pl.BlockSpec((EB, 128), lambda i: (i, 0)),
            pl.BlockSpec((EB, 4), lambda i: (i, 0)),
            pl.BlockSpec((8, 2 * EMBED), lambda i: (0, 0)),
            pl.BlockSpec((2 * EMBED, EMBED), lambda i: (0, 0)),
            pl.BlockSpec((EMBED, EMBED), lambda i: (0, 0)),
            pl.BlockSpec((EMBED, 2 * EMBED), lambda i: (0, 0)),
            pl.BlockSpec((7, 2 * EMBED), lambda i: (0, 0)),
        ],
        out_specs=[
            pl.BlockSpec((EB // 2, 128), lambda i: (i, 0)),
            pl.BlockSpec((EB // 8, 128), lambda i: (i, 0)),
        ],
        out_shape=[
            jax.ShapeDtypeStruct((E // 2, 128), F32),
            jax.ShapeDtypeStruct((E // 8, 128), F32),
        ],
    )(gd, ea, w2, wcat, wal, wkv, vec)


_S_CH = 400
_S_EPW = E // _NSUB
_S_NIT = _S_EPW // _S_CH
_NPS = N // _NSUB


def _scat_wv_body(cwv_hbm, eo_hbm, z_hbm, out_hbm, idx_v, buf, acc, sem):
    c = lax.axis_index("c")
    s = lax.axis_index("s")
    pltpu.sync_copy(z_hbm.at[pl.ds(s * _NPS, _NPS)],
                    acc.at[pl.ds(s * _NPS, _NPS)])
    plsc.subcore_barrier()
    base_r = s * (_S_EPW // 2)
    half = _S_CH // 2

    def body(i, carry):
        r0 = base_r + i * half
        pltpu.sync_copy(eo_hbm.at[pl.ds(r0, half)], idx_v)
        pltpu.sync_copy(cwv_hbm.at[pl.ds(r0, half), pl.ds(32 * c, 32)], buf)
        pltpu.sync_copy(buf, acc.at[idx_v], add=True)
        pltpu.sync_copy(eo_hbm.at[pl.ds(E // 2 + r0, half)], idx_v)
        pltpu.sync_copy(cwv_hbm.at[pl.ds(r0, half), pl.ds(64 + 32 * c, 32)],
                        buf)
        pltpu.sync_copy(buf, acc.at[idx_v], add=True)
        return carry

    lax.fori_loop(0, _S_NIT, body, 0)
    plsc.subcore_barrier()
    pltpu.sync_copy(acc.at[pl.ds(s * _NPS, _NPS)],
                    out_hbm.at[c, pl.ds(s * _NPS, _NPS), pl.ds(0, 32)])


def _run_scat_wv(cwv, dst_eo, z32):
    f = functools.partial(
        pl.kernel,
        out_type=jax.ShapeDtypeStruct((2, N, 128), F32),
        mesh=_sc_mesh(),
        compiler_params=_SC_PARAMS,
        scratch_types=[
            pltpu.VMEM((_S_CH // 2,), jnp.int32),
            pltpu.VMEM((_S_CH // 2, 32), F32),
            pltpu.VMEM_SHARED((N, 32), F32),
            pltpu.SemaphoreType.DMA,
        ],
    )(_scat_wv_body)
    return f(cwv, dst_eo, z32)


_A_RPS = 3200
_A_RCH = 200
_A_RPC = (E // 8) // _NSC


def _scat_ae_body(cae_hbm, p8_hbm, z_hbm, out_hbm, idx_v, buf, acc, sem):
    c = lax.axis_index("c")
    s = lax.axis_index("s")
    pltpu.sync_copy(z_hbm.at[pl.ds(s * _NPS, _NPS)],
                    acc.at[pl.ds(s * _NPS, _NPS)])
    plsc.subcore_barrier()

    def body(i, carry):
        r_loc = s * _A_RPS + i * _A_RCH

        @pl.when(r_loc < _A_RPC)
        def _():
            r_glob = c * _A_RPC + r_loc

            def phase(k, carry2):
                off = k * (E // 8) + r_glob
                pltpu.sync_copy(p8_hbm.at[pl.ds(off, _A_RCH)], idx_v)
                pltpu.sync_copy(
                    cae_hbm.at[pl.ds(r_glob, _A_RCH), pl.ds(16 * k, 16)],
                    buf)
                pltpu.sync_copy(buf, acc.at[idx_v], add=True)
                return carry2

            lax.fori_loop(0, 8, phase, 0)

        return carry

    lax.fori_loop(0, _A_RPS // _A_RCH, body, 0)
    plsc.subcore_barrier()
    pltpu.sync_copy(acc.at[pl.ds(s * _NPS, _NPS)],
                    out_hbm.at[c, pl.ds(s * _NPS, _NPS), pl.ds(0, 16)])


def _run_scat_ae(cae, dst_p8, z16):
    f = functools.partial(
        pl.kernel,
        out_type=jax.ShapeDtypeStruct((2, N, 128), F32),
        mesh=_sc_mesh(),
        compiler_params=_SC_PARAMS,
        scratch_types=[
            pltpu.VMEM((_A_RCH,), jnp.int32),
            pltpu.VMEM((_A_RCH, 16), F32),
            pltpu.VMEM_SHARED((N, 16), F32),
            pltpu.SemaphoreType.DMA,
        ],
    )(_scat_ae_body)
    return f(cae, dst_p8, z16)


def _p5_body(u0_ref, u1_ref, d0_ref, d1_ref, h_ref, c_ref,
             w5_ref, wout_ref, wm1_ref, wm2_ref, vec_ref, out_ref):
    dsum = d0_ref[0][:, 0:HEADS] + d1_ref[0][:, 0:HEADS]
    u = jnp.concatenate([u0_ref[0][:, 0:32], u1_ref[0][:, 0:32]], axis=1)
    hm = _head_mat()
    agg = u * _dot(1.0 / (dsum + 1e-16), hm.T)
    h = h_ref[...]
    cath = jnp.concatenate([agg, h], axis=1)
    gs = _dot(cath, w5_ref[...]) + vec_ref[0, 0:2 * EMBED]
    gate = jax.nn.sigmoid(gs[:, 0:EMBED])
    selfh = gs[:, EMBED:]
    upd = agg + gate * (selfh - agg)
    c2 = c_ref[...] + _dot(upd, wout_ref[...]) + vec_ref[1, 0:EMBED]
    j1 = _jmat(EMBED, EMBED)
    h2 = _ln_mxu(c2, vec_ref[1, EMBED:2 * EMBED],
                 vec_ref[1, 2 * EMBED:3 * EMBED], j1)
    ff = _dot(jnp.maximum(_dot(h2, wm1_ref[...]) + vec_ref[2], 0.0),
              wm2_ref[...]) + vec_ref[1, 3 * EMBED:]
    out_ref[...] = c2 + ff


def _run_p5(uacc, dacc, h, center, w5, wout, wm1, wm2, vec):
    grid = (N // NB,)
    return pl.pallas_call(
        _p5_body,
        grid=grid,
        in_specs=[
            pl.BlockSpec((1, NB, 128), lambda i: (0, i, 0)),
            pl.BlockSpec((1, NB, 128), lambda i: (1, i, 0)),
            pl.BlockSpec((1, NB, 128), lambda i: (0, i, 0)),
            pl.BlockSpec((1, NB, 128), lambda i: (1, i, 0)),
            pl.BlockSpec((NB, EMBED), lambda i: (i, 0)),
            pl.BlockSpec((NB, EMBED), lambda i: (i, 0)),
            pl.BlockSpec((2 * EMBED, 2 * EMBED), lambda i: (0, 0)),
            pl.BlockSpec((EMBED, EMBED), lambda i: (0, 0)),
            pl.BlockSpec((EMBED, 4 * EMBED), lambda i: (0, 0)),
            pl.BlockSpec((4 * EMBED, EMBED), lambda i: (0, 0)),
            pl.BlockSpec((3, 4 * EMBED), lambda i: (0, 0)),
        ],
        out_specs=pl.BlockSpec((NB, EMBED), lambda i: (i, 0)),
        out_shape=jax.ShapeDtypeStruct((N, EMBED), F32),
    )(uacc, uacc, dacc, dacc, h, center, w5, wout, wm1, wm2, vec)


def kernel(x, t, edge_index, edge_attr, bos_mask, rotate_mat, params):
    p = params
    src = edge_index[0]
    dst = edge_index[1]
    rot4 = rotate_mat.reshape(N, 4)
    bosf = bos_mask.astype(F32).reshape(N, 1)
    bosrow = p["bos_token"][t].reshape(1, EMBED)

    w2_1 = p["ce_l1"]["W"]
    w64_1 = jnp.stack([p["ce_l2"]["W"], p["ce_l3"]["W"], p["lin_q"]["W"]])
    vec_1 = jnp.stack([
        p["ce_l1"]["b"], p["ce_n1"]["g"], p["ce_n1"]["b"],
        p["ce_l2"]["b"], p["ce_n2"]["g"], p["ce_n2"]["b"],
        p["ce_l3"]["b"], p["ce_n3"]["g"], p["ce_n3"]["b"],
        p["norm1"]["g"], p["norm1"]["b"], p["lin_q"]["b"],
    ])
    center, h, q_nodes = _run_p1(x, rot4, bosf, bosrow, w2_1, w64_1, vec_1)

    rdup = jnp.stack([rot4[:, 0], rot4[:, 2], rot4[:, 1], rot4[:, 3]], axis=1)
    t_tab = jnp.concatenate(
        [q_nodes, rdup, rdup, jnp.zeros((N, 56), F32)], axis=1)
    tx_tab = jnp.concatenate([x, x, jnp.zeros((N, XROW - 4), F32)], axis=1)
    gd = _run_gather(t_tab, tx_tab, dst, src)

    cmat = jnp.eye(EMBED, dtype=F32) - jnp.full((EMBED, EMBED), 1.0 / EMBED,
                                                F32)
    ctr = lambda w: w @ cmat
    wa = p["nb0_l1"]["W"]
    wb = p["nb1_l1"]["W"]
    z64 = jnp.zeros((EMBED,), F32)
    sw = jnp.stack([
        jnp.concatenate([wa[0], z64]), jnp.concatenate([wa[0], z64]),
        jnp.concatenate([wa[1], z64]), jnp.concatenate([wa[1], z64]),
        jnp.concatenate([z64, wb[0]]), jnp.concatenate([z64, wb[0]]),
        jnp.concatenate([z64, wb[1]]), jnp.concatenate([z64, wb[1]]),
    ])
    sw = jnp.concatenate([sw[:, 0:EMBED] @ cmat, sw[:, EMBED:] @ cmat],
                         axis=1)
    wcat = ctr(jnp.concatenate([p["nb0_l2"]["W"], p["nb1_l2"]["W"]], axis=0))
    wal_c = ctr(p["nb_al"]["W"])
    wkv = jnp.concatenate([p["lin_k"]["W"], p["lin_v"]["W"]], axis=1)
    cc = lambda a, b: jnp.concatenate([a, b])
    cv = lambda v: v - jnp.mean(v)
    vec_3 = jnp.stack([
        cc(p["nb0_n1"]["g"], p["nb1_n1"]["g"]),
        cc(p["nb0_n1"]["b"], p["nb1_n1"]["b"]),
        cc(cv(p["nb0_l1"]["b"]), cv(p["nb1_l1"]["b"])),
        cc(cv(p["nb0_l2"]["b"] + p["nb1_l2"]["b"]), p["nb_an1"]["g"]),
        cc(p["nb_an1"]["b"], cv(p["nb_al"]["b"])),
        cc(p["nb_an2"]["g"], p["nb_an2"]["b"]),
        cc(p["lin_k"]["b"], p["lin_v"]["b"]),
    ])
    ea4 = jnp.tile(edge_attr, (1, 2))
    cwv, cae = _run_p3(gd, ea4, sw, wcat, wal_c, wkv, vec_3)

    dst_eo = jnp.swapaxes(dst.reshape(E // EB, 2, EB // 2), 0, 1).reshape(E)
    dst_p8 = jnp.swapaxes(dst.reshape(E // EB, 8, EB // 8), 0, 1).reshape(E)
    z32 = jnp.zeros((N, 32), F32)
    z16 = jnp.zeros((N, 16), F32)
    uacc = _run_scat_wv(cwv, dst_eo, z32)
    dacc = _run_scat_ae(cae, dst_p8, z16)

    w64_5 = jnp.block([[p["lin_ih"]["W"], jnp.zeros((EMBED, EMBED), F32)],
                       [p["lin_hh"]["W"], p["lin_self"]["W"]]])
    vec_5 = jnp.stack([
        jnp.concatenate([p["lin_ih"]["b"] + p["lin_hh"]["b"],
                         p["lin_self"]["b"],
                         jnp.zeros((2 * EMBED,), F32)]),
        jnp.concatenate([p["out_proj"]["b"], p["norm2"]["g"],
                         p["norm2"]["b"], p["mlp_l2"]["b"]]),
        p["mlp_l1"]["b"],
    ])
    return _run_p5(uacc, dacc, h, center,
                   w64_5, p["out_proj"]["W"], p["mlp_l1"]["W"],
                   p["mlp_l2"]["W"], vec_5)

# --- scband reference (transcript-rebuilt; emitter-appended) ---
"""Pipeline reference for scband-local-encoder-31799937860250 (READ-ONLY COPY).

The authoritative reference and input builder live on the scoring server;
editing this copy changes nothing except your own understanding.
"""

import jax, jax.numpy as jnp
import numpy as np

N = 50000
E = 800000
NODE_DIM = 2
EDGE_DIM = 2
EMBED = 64
HEADS = 8
HSTEPS = 20

def _lin(k, din, dout):
    return {"W": jax.random.normal(k, (din, dout), jnp.float32) * 0.02,
            "b": jnp.zeros((dout,), jnp.float32)}

def _ln(d):
    return {"g": jnp.ones((d,), jnp.float32), "b": jnp.zeros((d,), jnp.float32)}

def make_params(key):
    ks = jax.random.split(key, 18)
    p = {}
    p["ce_l1"] = _lin(ks[0], NODE_DIM, EMBED); p["ce_n1"] = _ln(EMBED)
    p["ce_l2"] = _lin(ks[1], EMBED, EMBED); p["ce_n2"] = _ln(EMBED)
    p["ce_l3"] = _lin(ks[2], EMBED, EMBED); p["ce_n3"] = _ln(EMBED)
    p["nb0_l1"] = _lin(ks[3], NODE_DIM, EMBED); p["nb0_n1"] = _ln(EMBED)
    p["nb0_l2"] = _lin(ks[4], EMBED, EMBED)
    p["nb1_l1"] = _lin(ks[5], EDGE_DIM, EMBED); p["nb1_n1"] = _ln(EMBED)
    p["nb1_l2"] = _lin(ks[6], EMBED, EMBED)
    p["nb_an1"] = _ln(EMBED); p["nb_al"] = _lin(ks[7], EMBED, EMBED); p["nb_an2"] = _ln(EMBED)
    names = ["lin_q", "lin_k", "lin_v", "lin_self", "lin_ih", "lin_hh", "out_proj"]
    for i, name in enumerate(names):
        p[name] = _lin(ks[8 + i], EMBED, EMBED)
    p["norm1"] = _ln(EMBED); p["norm2"] = _ln(EMBED)
    p["mlp_l1"] = _lin(ks[15], EMBED, EMBED * 4)
    p["mlp_l2"] = _lin(ks[16], EMBED * 4, EMBED)
    p["bos_token"] = jax.random.normal(ks[17], (HSTEPS, EMBED), jnp.float32) * 0.02
    return p

def layer_norm(x, p, eps=1e-5):
    m = jnp.mean(x, axis=-1, keepdims=True)
    v = jnp.var(x, axis=-1, keepdims=True)
    return (x - m) / jnp.sqrt(v + eps) * p["g"] + p["b"]

def linear(x, p):
    return x @ p["W"] + p["b"]

def single_embed(x, p):
    h = jax.nn.relu(layer_norm(linear(x, p["ce_l1"]), p["ce_n1"]))
    h = jax.nn.relu(layer_norm(linear(h, p["ce_l2"]), p["ce_n2"]))
    return layer_norm(linear(h, p["ce_l3"]), p["ce_n3"])

def multi_embed(a, b, p):
    ha = linear(jax.nn.relu(layer_norm(linear(a, p["nb0_l1"]), p["nb0_n1"])), p["nb0_l2"])
    hb = linear(jax.nn.relu(layer_norm(linear(b, p["nb1_l1"]), p["nb1_n1"])), p["nb1_l2"])
    s = ha + hb
    return layer_norm(linear(jax.nn.relu(layer_norm(s, p["nb_an1"])), p["nb_al"]), p["nb_an2"])

def forward(x, edge_attr, rotate_mat, params, edge_index, bos_mask, t):
    src = edge_index[0]
    dst = edge_index[1]
    rot_x = jnp.einsum("ni,nij->nj", x, rotate_mat)
    center = single_embed(rot_x, params)
    center = jnp.where(bos_mask[:, None], params["bos_token"][t], center)
    h = layer_norm(center, params["norm1"])
    x_j = x[src]
    crm = rotate_mat[dst]
    xr = jnp.einsum("ei,eij->ej", x_j, crm)
    er = jnp.einsum("ei,eij->ej", edge_attr, crm)
    nbr = multi_embed(xr, er, params)
    dh = EMBED // HEADS
    q = linear(h[dst], params["lin_q"]).reshape(-1, HEADS, dh)
    k = linear(nbr, params["lin_k"]).reshape(-1, HEADS, dh)
    v = linear(nbr, params["lin_v"]).reshape(-1, HEADS, dh)
    alpha = jnp.sum(q * k, axis=-1) / jnp.sqrt(float(dh))
    amax = jax.ops.segment_max(alpha, dst, num_segments=N)
    amax = jax.lax.stop_gradient(jnp.where(jnp.isfinite(amax), amax, 0.0))
    ae = jnp.exp(alpha - amax[dst])
    denom = jax.ops.segment_sum(ae, dst, num_segments=N)
    attn = ae / (denom[dst] + 1e-16)
    msg = (v * attn[:, :, None]).reshape(-1, EMBED)
    agg = jax.ops.segment_sum(msg, dst, num_segments=N)
    gate = jax.nn.sigmoid(linear(agg, params["lin_ih"]) + linear(h, params["lin_hh"]))
    upd = agg + gate * (linear(h, params["lin_self"]) - agg)
    center = center + linear(upd, params["out_proj"])
    h2 = layer_norm(center, params["norm2"])
    ff = linear(jax.nn.relu(linear(h2, params["mlp_l1"])), params["mlp_l2"])
    return center + ff

def setup_inputs(seed: int = 0):
    key = jax.random.key(seed)
    k1, k2, k3, k4, k5, k6 = jax.random.split(key, 6)
    x = jax.random.normal(k1, (N, NODE_DIM), jnp.float32)
    edge_index = jax.random.randint(k2, (2, E), 0, N, dtype=jnp.int32)
    edge_attr = jax.random.normal(k3, (E, EDGE_DIM), jnp.float32)
    bos_mask = jax.random.randint(k4, (N,), 0, 2) > 0
    rotate_mat = jax.random.normal(k5, (N, 2, 2), jnp.float32)
    params = make_params(k6)
    return {"x": x, "t": 5, "edge_index": edge_index, "edge_attr": edge_attr,
            "bos_mask": bos_mask, "rotate_mat": rotate_mat, "params": params}

def reference(x, t, edge_index, edge_attr, bos_mask, rotate_mat, params):
    return forward(x, edge_attr, rotate_mat, params, edge_index, bos_mask, t)

if __name__ == "__main__":
    import jax
    _d = setup_inputs()
    print(jax.jit(kernel)(*tuple(_d.values())))

</pallas_src>

<mosaic_0001>
#map = affine_map<(d0, d1) -> (0, 0)>
#map1 = affine_map<(d0, d1) -> (0)>
module attributes {stable_mosaic.version = 14 : i64} {
  func.func @_gather_body(%arg0: i32, %arg1: i32, %arg2: memref<50000x128xf32, #tpu.memory_space<hbm>>, %arg3: memref<50000x16xf32, #tpu.memory_space<hbm>>, %arg4: memref<800000xi32, #tpu.memory_space<hbm>>, %arg5: memref<800000xi32, #tpu.memory_space<hbm>>, %arg6: memref<800000x128xf32, #tpu.memory_space<hbm>>, %arg7: memref<200xi32, #tpu.memory_space<vmem>>, %arg8: memref<200xi32, #tpu.memory_space<vmem>>, %arg9: memref<200x128xf32, #tpu.memory_space<vmem>>, %arg10: memref<200x16xf32, #tpu.memory_space<vmem>>, %arg11: memref<!tpu.dma_semaphore, #tpu.memory_space<semaphore_mem>>, %arg12: memref<!tpu.dma_semaphore, #tpu.memory_space<semaphore_mem>>) attributes {dimension_semantics = [#tpu.dimension_semantics<core_parallel>, #tpu.dimension_semantics<subcore_parallel>], iteration_bounds = array<i64: 2, 16>, scalar_prefetch = 0 : i64, scratch_operands = 6 : i64, tpu.core_type = #tpu.core_type<sc_vector_subcore>, window_params = [{transform_indices = #map}, {transform_indices = #map}, {transform_indices = #map1}, {transform_indices = #map1}, {transform_indices = #map}]} {
    %mul3A = arith.constant 16 : i32
    %mul3A_0 = arith.muli %arg0, %mul3A : i32
    %add3A = arith.addi %mul3A_0, %arg1 : i32
    %mul3A_1 = arith.constant 25000 : i32
    %mul3A_2 = arith.muli %add3A, %mul3A_1 : i32
    %scan3A = arith.constant 0 : i32
    %scan3A_3 = arith.constant 0 : i32
    %scan3A_4 = arith.constant 125 : i32
    %scan3A_5 = arith.addi %scan3A_3, %scan3A_4 : i32
    %scan3A_6 = arith.constant 1 : i32
    scf.for %scan3A_8 = %scan3A_3 to %scan3A_5 step %scan3A_6  : i32 {
      %mul3A_9 = arith.constant 200 : i32
      %mul3A_10 = arith.muli %scan3A_8, %mul3A_9 : i32
      %add3A_11 = arith.addi %mul3A_2, %mul3A_10 : i32
      "tpu.region"() ({
        %run_scoped3A = tpu.sem_alloc : memref<!tpu.dma_semaphore, #tpu.memory_space<semaphore_mem>>
        %dma_start3A_28 = tpu.memref_slice %arg4[%add3A_11] : memref<800000xi32, #tpu.memory_space<hbm>> -> memref<200xi32, #tpu.memory_space<hbm>>
        %dma_start3A_29 = tpu.memref_slice %arg4[%add3A_11] : memref<800000xi32, #tpu.memory_space<hbm>> -> memref<200xi32, #tpu.memory_space<hbm>>
        tpu.enqueue_dma source(%dma_start3A_29 : memref<200xi32, #tpu.memory_space<hbm>>) target(%arg7 : memref<200xi32, #tpu.memory_space<vmem>>) target_semaphore(%run_scoped3A : memref<!tpu.dma_semaphore, #tpu.memory_space<semaphore_mem>>)
        %dma_wait3A_30 = tpu.memref_slice %arg4[%add3A_11] : memref<800000xi32, #tpu.memory_space<hbm>> -> memref<200xi32, #tpu.memory_space<hbm>>
        %dma_wait3A_31 = tpu.memref_slice %arg4[%add3A_11] : memref<800000xi32, #tpu.memory_space<hbm>> -> memref<200xi32, #tpu.memory_space<hbm>>
        tpu.wait_dma2 semaphore(%run_scoped3A : memref<!tpu.dma_semaphore, #tpu.memory_space<semaphore_mem>>) src(%dma_wait3A_31 : memref<200xi32, #tpu.memory_space<hbm>>) dst(%arg7 : memref<200xi32, #tpu.memory_space<vmem>>)
        tpu.yield
      }) : () -> ()
      "tpu.region"() ({
        %run_scoped3A = tpu.sem_alloc : memref<!tpu.dma_semaphore, #tpu.memory_space<semaphore_mem>>
        %dma_start3A_28 = tpu.memref_slice %arg5[%add3A_11] : memref<800000xi32, #tpu.memory_space<hbm>> -> memref<200xi32, #tpu.memory_space<hbm>>
        %dma_start3A_29 = tpu.memref_slice %arg5[%add3A_11] : memref<800000xi32, #tpu.memory_space<hbm>> -> memref<200xi32, #tpu.memory_space<hbm>>
        tpu.enqueue_dma source(%dma_start3A_29 : memref<200xi32, #tpu.memory_space<hbm>>) target(%arg8 : memref<200xi32, #tpu.memory_space<vmem>>) target_semaphore(%run_scoped3A : memref<!tpu.dma_semaphore, #tpu.memory_space<semaphore_mem>>)
        %dma_wait3A_30 = tpu.memref_slice %arg5[%add3A_11] : memref<800000xi32, #tpu.memory_space<hbm>> -> memref<200xi32, #tpu.memory_space<hbm>>
        %dma_wait3A_31 = tpu.memref_slice %arg5[%add3A_11] : memref<800000xi32, #tpu.memory_space<hbm>> -> memref<200xi32, #tpu.memory_space<hbm>>
        tpu.wait_dma2 semaphore(%run_scoped3A : memref<!tpu.dma_semaphore, #tpu.memory_space<semaphore_mem>>) src(%dma_wait3A_31 : memref<200xi32, #tpu.memory_space<hbm>>) dst(%arg8 : memref<200xi32, #tpu.memory_space<vmem>>)
        tpu.yield
      }) : () -> ()
      %dma_start3A = arith.constant 0 : i32
      %dma_start3A_12 = arith.constant 0 : i32
      %dma_start3A_13 = tpu.memref_slice %arg2[%dma_start3A, %dma_start3A_12] : memref<50000x128xf32, #tpu.memory_space<hbm>> -> memref<50000x128xf32, #tpu.memory_space<hbm>>
      tpu.enqueue_indirect_dma source(%dma_start3A_13 : memref<50000x128xf32, #tpu.memory_space<hbm>>) target(%arg9 : memref<200x128xf32, #tpu.memory_space<vmem>>) offsets(%arg7 : memref<200xi32, #tpu.memory_space<vmem>>) semaphore(%arg11 : memref<!tpu.dma_semaphore, #tpu.memory_space<semaphore_mem>>)
      %dma_start3A_14 = arith.constant 0 : i32
      %dma_start3A_15 = arith.constant 0 : i32
      %dma_start3A_16 = tpu.memref_slice %arg3[%dma_start3A_14, %dma_start3A_15] : memref<50000x16xf32, #tpu.memory_space<hbm>> -> memref<50000x16xf32, #tpu.memory_space<hbm>>
      tpu.enqueue_indirect_dma source(%dma_start3A_16 : memref<50000x16xf32, #tpu.memory_space<hbm>>) target(%arg10 : memref<200x16xf32, #tpu.memory_space<vmem>>) offsets(%arg8 : memref<200xi32, #tpu.memory_space<vmem>>) semaphore(%arg12 : memref<!tpu.dma_semaphore, #tpu.memory_space<semaphore_mem>>)
      %dma_wait3A = arith.constant 0 : i32
      %dma_wait3A_17 = arith.constant 0 : i32
      %dma_wait3A_18 = tpu.memref_slice %arg2[%dma_wait3A, %dma_wait3A_17] : memref<50000x128xf32, #tpu.memory_space<hbm>> -> memref<50000x128xf32, #tpu.memory_space<hbm>>
      tpu.wait_indirect_dma semaphore(%arg11 : memref<!tpu.dma_semaphore, #tpu.memory_space<semaphore_mem>>) src(%dma_wait3A_18 : memref<50000x128xf32, #tpu.memory_space<hbm>>) dst(%arg9 : memref<200x128xf32, #tpu.memory_space<vmem>>)
      %dma_wait3A_19 = arith.constant 0 : i32
      %dma_wait3A_20 = arith.constant 0 : i32
      %dma_wait3A_21 = tpu.memref_slice %arg3[%dma_wait3A_19, %dma_wait3A_20] : memref<50000x16xf32, #tpu.memory_space<hbm>> -> memref<50000x16xf32, #tpu.memory_space<hbm>>
      tpu.wait_indirect_dma semaphore(%arg12 : memref<!tpu.dma_semaphore, #tpu.memory_space<semaphore_mem>>) src(%dma_wait3A_21 : memref<50000x16xf32, #tpu.memory_space<hbm>>) dst(%arg10 : memref<200x16xf32, #tpu.memory_space<vmem>>)
      %scan3A_22 = arith.constant 0 : i32
      %scan3A_23 = arith.constant 0 : i32
      %scan3A_24 = arith.constant 200 : i32
      %scan3A_25 = arith.addi %scan3A_23, %scan3A_24 : i32
      %scan3A_26 = arith.constant 1 : i32
      scf.for %scan3A_28 = %scan3A_23 to %scan3A_25 step %scan3A_26  : i32 {
        %get3A = arith.index_cast %scan3A_28 : i32 to index
        %get3A_29 = arith.constant 0 : index
        %get3A_30 = tpu.vector_load %arg10[%get3A, %get3A_29] {strides = array<i32>} : memref<200x16xf32, #tpu.memory_space<vmem>>, vector<1x16xf32>,
        %get3A_31 = vector.shape_cast %get3A_30 : vector<1x16xf32> to vector<16xf32>
        %get3A_32 = arith.index_cast %scan3A_28 : i32 to index
        %get3A_33 = arith.constant 64 : index
        %get3A_34 = tpu.vector_load %arg9[%get3A_32, %get3A_33] {strides = array<i32>} : memref<200x128xf32, #tpu.memory_space<vmem>>, vector<1x16xf32>,
        %get3A_35 = vector.shape_cast %get3A_34 : vector<1x16xf32> to vector<16xf32>
        %mul3A_36 = arith.mulf %get3A_31, %get3A_35 : vector<16xf32>
        %swap3A = arith.index_cast %scan3A_28 : i32 to index
        %swap3A_37 = arith.constant 80 : index
        %swap3A_38 = tpu.vector_load %arg9[%swap3A, %swap3A_37] {strides = array<i32>} : memref<200x128xf32, #tpu.memory_space<vmem>>, vector<1x16xf32>,
        %swap3A_39 = vector.shape_cast %swap3A_38 : vector<1x16xf32> to vector<16xf32>
        %swap3A_40 = vector.shape_cast %mul3A_36 : vector<16xf32> to vector<1x16xf32>
        tpu.vector_store %arg9[%swap3A, %swap3A_37], %swap3A_40 {strides = array<i32>} : memref<200x128xf32, #tpu.memory_space<vmem>>, vector<1x16xf32>,
      }
      %scan3A_27 = arith.constant 200 : i32
      "tpu.region"() ({
        %run_scoped3A = tpu.sem_alloc : memref<!tpu.dma_semaphore, #tpu.memory_space<semaphore_mem>>
        %dma_start3A_28 = arith.constant 0 : i32
        %dma_start3A_29 = tpu.memref_slice %arg6[%add3A_11, %dma_start3A_28] : memref<800000x128xf32, #tpu.memory_space<hbm>> -> memref<200x128xf32, #tpu.memory_space<hbm>>
        %dma_start3A_30 = arith.constant 0 : i32
        %dma_start3A_31 = tpu.memref_slice %arg6[%add3A_11, %dma_start3A_30] : memref<800000x128xf32, #tpu.memory_space<hbm>> -> memref<200x128xf32, #tpu.memory_space<hbm>>
        tpu.enqueue_dma source(%arg9 : memref<200x128xf32, #tpu.memory_space<vmem>>) target(%dma_start3A_31 : memref<200x128xf32, #tpu.memory_space<hbm>>) target_semaphore(%run_scoped3A : memref<!tpu.dma_semaphore, #tpu.memory_space<semaphore_mem>>)
        %dma_wait3A_32 = arith.constant 0 : i32
        %dma_wait3A_33 = tpu.memref_slice %arg6[%add3A_11, %dma_wait3A_32] : memref<800000x128xf32, #tpu.memory_space<hbm>> -> memref<200x128xf32, #tpu.memory_space<hbm>>
        %dma_wait3A_34 = arith.constant 0 : i32
        %dma_wait3A_35 = tpu.memref_slice %arg6[%add3A_11, %dma_wait3A_34] : memref<800000x128xf32, #tpu.memory_space<hbm>> -> memref<200x128xf32, #tpu.memory_space<hbm>>
        tpu.wait_dma2 semaphore(%run_scoped3A : memref<!tpu.dma_semaphore, #tpu.memory_space<semaphore_mem>>) src(%arg9 : memref<200x128xf32, #tpu.memory_space<vmem>>) dst(%dma_wait3A_35 : memref<200x128xf32, #tpu.memory_space<hbm>>)
        tpu.yield
      }) : () -> ()
    }
    %scan3A_7 = arith.constant 125 : i32
    return
  }
}

#map = affine_map<(d0, d1) -> (0, 0)>
#map1 = affine_map<(d0, d1) -> (0)>
#map2 = affine_map<(d0, d1) -> (0, 0, 0)>
module attributes {stable_mosaic.version = 14 : i64} {
  func.func @_scat_ae_body(%arg0: i32, %arg1: i32, %arg2: memref<100000x128xf32, #tpu.memory_space<hbm>>, %arg3: memref<800000xi32, #tpu.memory_space<hbm>>, %arg4: memref<50000x16xf32, #tpu.memory_space<hbm>>, %arg5: memref<2x50000x128xf32, #tpu.memory_space<hbm>>, %arg6: memref<200xi32, #tpu.memory_space<vmem>>, %arg7: memref<200x16xf32, #tpu.memory_space<vmem>>, %arg8: memref<50000x16xf32, #tpu.memory_space<vmem_shared>>, %arg9: memref<!tpu.dma_semaphore, #tpu.memory_space<semaphore_mem>>) attributes {dimension_semantics = [#tpu.dimension_semantics<core_parallel>, #tpu.dimension_semantics<subcore_parallel>], iteration_bounds = array<i64: 2, 16>, scalar_prefetch = 0 : i64, scratch_operands = 4 : i64, tpu.core_type = #tpu.core_type<sc_vector_subcore>, window_params = [{transform_indices = #map}, {transform_indices = #map1}, {transform_indices = #map}, {transform_indices = #map2}]} {
    %mul3A = arith.constant 3125 : i32
    %mul3A_0 = arith.muli %arg1, %mul3A : i32
    %mul3A_1 = arith.constant 3125 : i32
    %mul3A_2 = arith.muli %arg1, %mul3A_1 : i32
    "tpu.region"() ({
      %run_scoped3A = tpu.sem_alloc : memref<!tpu.dma_semaphore, #tpu.memory_space<semaphore_mem>>
      %dma_start3A = arith.constant 0 : i32
      %dma_start3A_13 = tpu.memref_slice %arg8[%mul3A_2, %dma_start3A] : memref<50000x16xf32, #tpu.memory_space<vmem_shared>> -> memref<3125x16xf32, #tpu.memory_space<vmem_shared>>
      %dma_start3A_14 = arith.constant 0 : i32
      %dma_start3A_15 = tpu.memref_slice %arg4[%mul3A_0, %dma_start3A_14] : memref<50000x16xf32, #tpu.memory_space<hbm>> -> memref<3125x16xf32, #tpu.memory_space<hbm>>
      tpu.enqueue_dma source(%dma_start3A_15 : memref<3125x16xf32, #tpu.memory_space<hbm>>) target(%dma_start3A_13 : memref<3125x16xf32, #tpu.memory_space<vmem_shared>>) target_semaphore(%run_scoped3A : memref<!tpu.dma_semaphore, #tpu.memory_space<semaphore_mem>>)
      %dma_wait3A = arith.constant 0 : i32
      %dma_wait3A_16 = tpu.memref_slice %arg8[%mul3A_2, %dma_wait3A] : memref<50000x16xf32, #tpu.memory_space<vmem_shared>> -> memref<3125x16xf32, #tpu.memory_space<vmem_shared>>
      %dma_wait3A_17 = arith.constant 0 : i32
      %dma_wait3A_18 = tpu.memref_slice %arg4[%mul3A_0, %dma_wait3A_17] : memref<50000x16xf32, #tpu.memory_space<hbm>> -> memref<3125x16xf32, #tpu.memory_space<hbm>>
      tpu.wait_dma2 semaphore(%run_scoped3A : memref<!tpu.dma_semaphore, #tpu.memory_space<semaphore_mem>>) src(%dma_wait3A_18 : memref<3125x16xf32, #tpu.memory_space<hbm>>) dst(%dma_wait3A_16 : memref<3125x16xf32, #tpu.memory_space<vmem_shared>>)
      tpu.yield
    }) : () -> ()
    %barrier3A = arith.constant 0 : index
    tpu.barrier barrier_id(%barrier3A)
    %scan3A = arith.constant 0 : i32
    %scan3A_3 = arith.constant 0 : i32
    %scan3A_4 = arith.constant 16 : i32
    %scan3A_5 = arith.addi %scan3A_3, %scan3A_4 : i32
    %scan3A_6 = arith.constant 1 : i32
    scf.for %scan3A_13 = %scan3A_3 to %scan3A_5 step %scan3A_6  : i32 {
      %mul3A_14 = arith.constant 3200 : i32
      %mul3A_15 = arith.muli %arg1, %mul3A_14 : i32
      %mul3A_16 = arith.constant 200 : i32
      %mul3A_17 = arith.muli %scan3A_13, %mul3A_16 : i32
      %add3A = arith.addi %mul3A_15, %mul3A_17 : i32
      %lt3A = arith.constant 50000 : i32
      %lt3A_18 = arith.cmpi slt, %add3A, %lt3A : i32
      %convert_element_type3A = arith.extui %lt3A_18 : i1 to i32
      %cond3A = arith.constant 0 : i32
      %cond3A_19 = arith.cmpi ne, %convert_element_type3A, %cond3A : i32
      scf.if %cond3A_19 {
        %mul3A_20 = arith.constant 50000 : i32
        %mul3A_21 = arith.muli %arg0, %mul3A_20 : i32
        %add3A_22 = arith.addi %mul3A_21, %add3A : i32
        %scan3A_23 = arith.constant 0 : i32
        %scan3A_24 = arith.constant 0 : i32
        %scan3A_25 = arith.constant 8 : i32
        %scan3A_26 = arith.addi %scan3A_24, %scan3A_25 : i32
        %scan3A_27 = arith.constant 1 : i32
        scf.for %scan3A_29 = %scan3A_24 to %scan3A_26 step %scan3A_27  : i32 {
          %mul3A_30 = arith.constant 100000 : i32
          %mul3A_31 = arith.muli %scan3A_29, %mul3A_30 : i32
          %add3A_32 = arith.addi %mul3A_31, %add3A_22 : i32
          "tpu.region"() ({
            %run_scoped3A = tpu.sem_alloc : memref<!tpu.dma_semaphore, #tpu.memory_space<semaphore_mem>>
            %dma_start3A = tpu.memref_slice %arg3[%add3A_32] : memref<800000xi32, #tpu.memory_space<hbm>> -> memref<200xi32, #tpu.memory_space<hbm>>
            %dma_start3A_35 = tpu.memref_slice %arg3[%add3A_32] : memref<800000xi32, #tpu.memory_space<hbm>> -> memref<200xi32, #tpu.memory_space<hbm>>
            tpu.enqueue_dma source(%dma_start3A_35 : memref<200xi32, #tpu.memory_space<hbm>>) target(%arg6 : memref<200xi32, #tpu.memory_space<vmem>>) target_semaphore(%run_scoped3A : memref<!tpu.dma_semaphore, #tpu.memory_space<semaphore_mem>>)
            %dma_wait3A = tpu.memref_slice %arg3[%add3A_32] : memref<800000xi32, #tpu.memory_space<hbm>> -> memref<200xi32, #tpu.memory_space<hbm>>
            %dma_wait3A_36 = tpu.memref_slice %arg3[%add3A_32] : memref<800000xi32, #tpu.memory_space<hbm>> -> memref<200xi32, #tpu.memory_space<hbm>>
            tpu.wait_dma2 semaphore(%run_scoped3A : memref<!tpu.dma_semaphore, #tpu.memory_space<semaphore_mem>>) src(%dma_wait3A_36 : memref<200xi32, #tpu.memory_space<hbm>>) dst(%arg6 : memref<200xi32, #tpu.memory_space<vmem>>)
            tpu.yield
          }) : () -> ()
          %mul3A_33 = arith.constant 16 : i32
          %mul3A_34 = arith.muli %mul3A_33, %scan3A_29 : i32
          "tpu.region"() ({
            %run_scoped3A = tpu.sem_alloc : memref<!tpu.dma_semaphore, #tpu.memory_space<semaphore_mem>>
            %dma_start3A = tpu.memref_slice %arg2[%add3A_22, %mul3A_34] : memref<100000x128xf32, #tpu.memory_space<hbm>> -> memref<200x16xf32, #tpu.memory_space<hbm>>
            %dma_start3A_35 = tpu.memref_slice %arg2[%add3A_22, %mul3A_34] : memref<100000x128xf32, #tpu.memory_space<hbm>> -> memref<200x16xf32, #tpu.memory_space<hbm>>
            tpu.enqueue_dma source(%dma_start3A_35 : memref<200x16xf32, #tpu.memory_space<hbm>>) target(%arg7 : memref<200x16xf32, #tpu.memory_space<vmem>>) target_semaphore(%run_scoped3A : memref<!tpu.dma_semaphore, #tpu.memory_space<semaphore_mem>>)
            %dma_wait3A = tpu.memref_slice %arg2[%add3A_22, %mul3A_34] : memref<100000x128xf32, #tpu.memory_space<hbm>> -> memref<200x16xf32, #tpu.memory_space<hbm>>
            %dma_wait3A_36 = tpu.memref_slice %arg2[%add3A_22, %mul3A_34] : memref<100000x128xf32, #tpu.memory_space<hbm>> -> memref<200x16xf32, #tpu.memory_space<hbm>>
            tpu.wait_dma2 semaphore(%run_scoped3A : memref<!tpu.dma_semaphore, #tpu.memory_space<semaphore_mem>>) src(%dma_wait3A_36 : memref<200x16xf32, #tpu.memory_space<hbm>>) dst(%arg7 : memref<200x16xf32, #tpu.memory_space<vmem>>)
            tpu.yield
          }) : () -> ()
          "tpu.region"() ({
            %run_scoped3A = tpu.sem_alloc : memref<!tpu.dma_semaphore, #tpu.memory_space<semaphore_mem>>
            %dma_start3A = arith.constant 0 : i32
            %dma_start3A_35 = arith.constant 0 : i32
            %dma_start3A_36 = tpu.memref_slice %arg8[%dma_start3A, %dma_start3A_35] : memref<50000x16xf32, #tpu.memory_space<vmem_shared>> -> memref<50000x16xf32, #tpu.memory_space<vmem_shared>>
            tpu.enqueue_indirect_dma source(%arg7 : memref<200x16xf32, #tpu.memory_space<vmem>>) target(%dma_start3A_36 : memref<50000x16xf32, #tpu.memory_space<vmem_shared>>) offsets(%arg6 : memref<200xi32, #tpu.memory_space<vmem>>) semaphore(%run_scoped3A : memref<!tpu.dma_semaphore, #tpu.memory_space<semaphore_mem>>) {add = true}
            %dma_wait3A = arith.constant 0 : i32
            %dma_wait3A_37 = arith.constant 0 : i32
            %dma_wait3A_38 = tpu.memref_slice %arg8[%dma_wait3A, %dma_wait3A_37] : memref<50000x16xf32, #tpu.memory_space<vmem_shared>> -> memref<50000x16xf32, #tpu.memory_space<vmem_shared>>
            tpu.wait_indirect_dma semaphore(%run_scoped3A : memref<!tpu.dma_semaphore, #tpu.memory_space<semaphore_mem>>) src(%arg7 : memref<200x16xf32, #tpu.memory_space<vmem>>) dst(%dma_wait3A_38 : memref<50000x16xf32, #tpu.memory_space<vmem_shared>>)
            tpu.yield
          }) : () -> ()
        }
        %scan3A_28 = arith.constant 8 : i32
      } else {
      }
    }
    %scan3A_7 = arith.constant 16 : i32
    %barrier3A_8 = arith.constant 0 : index
    tpu.barrier barrier_id(%barrier3A_8)
    %mul3A_9 = arith.constant 3125 : i32
    %mul3A_10 = arith.muli %arg1, %mul3A_9 : i32
    %mul3A_11 = arith.constant 3125 : i32
    %mul3A_12 = arith.muli %arg1, %mul3A_11 : i32
    "tpu.region"() ({
      %run_scoped3A = tpu.sem_alloc : memref<!tpu.dma_semaphore, #tpu.memory_space<semaphore_mem>>
      %dma_start3A = arith.constant 0 : i32
      %dma_start3A_13 = tpu.memref_slice %arg5[%arg0, %mul3A_12, %dma_start3A] : memref<2x50000x128xf32, #tpu.memory_space<hbm>> -> memref<1x3125x16xf32, #tpu.memory_space<hbm>>
      %dma_start3A_14 = tpu.memref_squeeze %dma_start3A_13 : memref<1x3125x16xf32, #tpu.memory_space<hbm>> -> memref<3125x16xf32, #tpu.memory_space<hbm>>
      %dma_start3A_15 = arith.constant 0 : i32
      %dma_start3A_16 = tpu.memref_slice %arg8[%mul3A_10, %dma_start3A_15] : memref<50000x16xf32, #tpu.memory_space<vmem_shared>> -> memref<3125x16xf32, #tpu.memory_space<vmem_shared>>
      tpu.enqueue_dma source(%dma_start3A_16 : memref<3125x16xf32, #tpu.memory_space<vmem_shared>>) target(%dma_start3A_14 : memref<3125x16xf32, #tpu.memory_space<hbm>>) target_semaphore(%run_scoped3A : memref<!tpu.dma_semaphore, #tpu.memory_space<semaphore_mem>>)
      %dma_wait3A = arith.constant 0 : i32
      %dma_wait3A_17 = tpu.memref_slice %arg5[%arg0, %mul3A_12, %dma_wait3A] : memref<2x50000x128xf32, #tpu.memory_space<hbm>> -> memref<1x3125x16xf32, #tpu.memory_space<hbm>>
      %dma_wait3A_18 = tpu.memref_squeeze %dma_wait3A_17 : memref<1x3125x16xf32, #tpu.memory_space<hbm>> -> memref<3125x16xf32, #tpu.memory_space<hbm>>
      %dma_wait3A_19 = arith.constant 0 : i32
      %dma_wait3A_20 = tpu.memref_slice %arg8[%mul3A_10, %dma_wait3A_19] : memref<50000x16xf32, #tpu.memory_space<vmem_shared>> -> memref<3125x16xf32, #tpu.memory_space<vmem_shared>>
      tpu.wait_dma2 semaphore(%run_scoped3A : memref<!tpu.dma_semaphore, #tpu.memory_space<semaphore_mem>>) src(%dma_wait3A_20 : memref<3125x16xf32, #tpu.memory_space<vmem_shared>>) dst(%dma_wait3A_18 : memref<3125x16xf32, #tpu.memory_space<hbm>>)
      tpu.yield
    }) : () -> ()
    return
  }
}

#map = affine_map<(d0, d1) -> (0, 0)>
#map1 = affine_map<(d0, d1) -> (0)>
#map2 = affine_map<(d0, d1) -> (0, 0, 0)>
module attributes {stable_mosaic.version = 14 : i64} {
  func.func @_scat_wv_body(%arg0: i32, %arg1: i32, %arg2: memref<400000x128xf32, #tpu.memory_space<hbm>>, %arg3: memref<800000xi32, #tpu.memory_space<hbm>>, %arg4: memref<50000x32xf32, #tpu.memory_space<hbm>>, %arg5: memref<2x50000x128xf32, #tpu.memory_space<hbm>>, %arg6: memref<200xi32, #tpu.memory_space<vmem>>, %arg7: memref<200x32xf32, #tpu.memory_space<vmem>>, %arg8: memref<50000x32xf32, #tpu.memory_space<vmem_shared>>, %arg9: memref<!tpu.dma_semaphore, #tpu.memory_space<semaphore_mem>>) attributes {dimension_semantics = [#tpu.dimension_semantics<core_parallel>, #tpu.dimension_semantics<subcore_parallel>], iteration_bounds = array<i64: 2, 16>, scalar_prefetch = 0 : i64, scratch_operands = 4 : i64, tpu.core_type = #tpu.core_type<sc_vector_subcore>, window_params = [{transform_indices = #map}, {transform_indices = #map1}, {transform_indices = #map}, {transform_indices = #map2}]} {
    %mul3A = arith.constant 3125 : i32
    %mul3A_0 = arith.muli %arg1, %mul3A : i32
    %mul3A_1 = arith.constant 3125 : i32
    %mul3A_2 = arith.muli %arg1, %mul3A_1 : i32
    "tpu.region"() ({
      %run_scoped3A = tpu.sem_alloc : memref<!tpu.dma_semaphore, #tpu.memory_space<semaphore_mem>>
      %dma_start3A = arith.constant 0 : i32
      %dma_start3A_15 = tpu.memref_slice %arg8[%mul3A_2, %dma_start3A] : memref<50000x32xf32, #tpu.memory_space<vmem_shared>> -> memref<3125x32xf32, #tpu.memory_space<vmem_shared>>
      %dma_start3A_16 = arith.constant 0 : i32
      %dma_start3A_17 = tpu.memref_slice %arg4[%mul3A_0, %dma_start3A_16] : memref<50000x32xf32, #tpu.memory_space<hbm>> -> memref<3125x32xf32, #tpu.memory_space<hbm>>
      tpu.enqueue_dma source(%dma_start3A_17 : memref<3125x32xf32, #tpu.memory_space<hbm>>) target(%dma_start3A_15 : memref<3125x32xf32, #tpu.memory_space<vmem_shared>>) target_semaphore(%run_scoped3A : memref<!tpu.dma_semaphore, #tpu.memory_space<semaphore_mem>>)
      %dma_wait3A = arith.constant 0 : i32
      %dma_wait3A_18 = tpu.memref_slice %arg8[%mul3A_2, %dma_wait3A] : memref<50000x32xf32, #tpu.memory_space<vmem_shared>> -> memref<3125x32xf32, #tpu.memory_space<vmem_shared>>
      %dma_wait3A_19 = arith.constant 0 : i32
      %dma_wait3A_20 = tpu.memref_slice %arg4[%mul3A_0, %dma_wait3A_19] : memref<50000x32xf32, #tpu.memory_space<hbm>> -> memref<3125x32xf32, #tpu.memory_space<hbm>>
      tpu.wait_dma2 semaphore(%run_scoped3A : memref<!tpu.dma_semaphore, #tpu.memory_space<semaphore_mem>>) src(%dma_wait3A_20 : memref<3125x32xf32, #tpu.memory_space<hbm>>) dst(%dma_wait3A_18 : memref<3125x32xf32, #tpu.memory_space<vmem_shared>>)
      tpu.yield
    }) : () -> ()
    %barrier3A = arith.constant 0 : index
    tpu.barrier barrier_id(%barrier3A)
    %mul3A_3 = arith.constant 25000 : i32
    %mul3A_4 = arith.muli %arg1, %mul3A_3 : i32
    %scan3A = arith.constant 0 : i32
    %scan3A_5 = arith.constant 0 : i32
    %scan3A_6 = arith.constant 125 : i32
    %scan3A_7 = arith.addi %scan3A_5, %scan3A_6 : i32
    %scan3A_8 = arith.constant 1 : i32
    scf.for %scan3A_15 = %scan3A_5 to %scan3A_7 step %scan3A_8  : i32 {
      %mul3A_16 = arith.constant 200 : i32
      %mul3A_17 = arith.muli %scan3A_15, %mul3A_16 : i32
      %add3A = arith.addi %mul3A_4, %mul3A_17 : i32
      "tpu.region"() ({
        %run_scoped3A = tpu.sem_alloc : memref<!tpu.dma_semaphore, #tpu.memory_space<semaphore_mem>>
        %dma_start3A = tpu.memref_slice %arg3[%add3A] : memref<800000xi32, #tpu.memory_space<hbm>> -> memref<200xi32, #tpu.memory_space<hbm>>
        %dma_start3A_26 = tpu.memref_slice %arg3[%add3A] : memref<800000xi32, #tpu.memory_space<hbm>> -> memref<200xi32, #tpu.memory_space<hbm>>
        tpu.enqueue_dma source(%dma_start3A_26 : memref<200xi32, #tpu.memory_space<hbm>>) target(%arg6 : memref<200xi32, #tpu.memory_space<vmem>>) target_semaphore(%run_scoped3A : memref<!tpu.dma_semaphore, #tpu.memory_space<semaphore_mem>>)
        %dma_wait3A = tpu.memref_slice %arg3[%add3A] : memref<800000xi32, #tpu.memory_space<hbm>> -> memref<200xi32, #tpu.memory_space<hbm>>
        %dma_wait3A_27 = tpu.memref_slice %arg3[%add3A] : memref<800000xi32, #tpu.memory_space<hbm>> -> memref<200xi32, #tpu.memory_space<hbm>>
        tpu.wait_dma2 semaphore(%run_scoped3A : memref<!tpu.dma_semaphore, #tpu.memory_space<semaphore_mem>>) src(%dma_wait3A_27 : memref<200xi32, #tpu.memory_space<hbm>>) dst(%arg6 : memref<200xi32, #tpu.memory_space<vmem>>)
        tpu.yield
      }) : () -> ()
      %mul3A_18 = arith.constant 32 : i32
      %mul3A_19 = arith.muli %mul3A_18, %arg0 : i32
      "tpu.region"() ({
        %run_scoped3A = tpu.sem_alloc : memref<!tpu.dma_semaphore, #tpu.memory_space<semaphore_mem>>
        %dma_start3A = tpu.memref_slice %arg2[%add3A, %mul3A_19] : memref<400000x128xf32, #tpu.memory_space<hbm>> -> memref<200x32xf32, #tpu.memory_space<hbm>>
        %dma_start3A_26 = tpu.memref_slice %arg2[%add3A, %mul3A_19] : memref<400000x128xf32, #tpu.memory_space<hbm>> -> memref<200x32xf32, #tpu.memory_space<hbm>>
        tpu.enqueue_dma source(%dma_start3A_26 : memref<200x32xf32, #tpu.memory_space<hbm>>) target(%arg7 : memref<200x32xf32, #tpu.memory_space<vmem>>) target_semaphore(%run_scoped3A : memref<!tpu.dma_semaphore, #tpu.memory_space<semaphore_mem>>)
        %dma_wait3A = tpu.memref_slice %arg2[%add3A, %mul3A_19] : memref<400000x128xf32, #tpu.memory_space<hbm>> -> memref<200x32xf32, #tpu.memory_space<hbm>>
        %dma_wait3A_27 = tpu.memref_slice %arg2[%add3A, %mul3A_19] : memref<400000x128xf32, #tpu.memory_space<hbm>> -> memref<200x32xf32, #tpu.memory_space<hbm>>
        tpu.wait_dma2 semaphore(%run_scoped3A : memref<!tpu.dma_semaphore, #tpu.memory_space<semaphore_mem>>) src(%dma_wait3A_27 : memref<200x32xf32, #tpu.memory_space<hbm>>) dst(%arg7 : memref<200x32xf32, #tpu.memory_space<vmem>>)
        tpu.yield
      }) : () -> ()
      "tpu.region"() ({
        %run_scoped3A = tpu.sem_alloc : memref<!tpu.dma_semaphore, #tpu.memory_space<semaphore_mem>>
        %dma_start3A = arith.constant 0 : i32
        %dma_start3A_26 = arith.constant 0 : i32
        %dma_start3A_27 = tpu.memref_slice %arg8[%dma_start3A, %dma_start3A_26] : memref<50000x32xf32, #tpu.memory_space<vmem_shared>> -> memref<50000x32xf32, #tpu.memory_space<vmem_shared>>
        tpu.enqueue_indirect_dma source(%arg7 : memref<200x32xf32, #tpu.memory_space<vmem>>) target(%dma_start3A_27 : memref<50000x32xf32, #tpu.memory_space<vmem_shared>>) offsets(%arg6 : memref<200xi32, #tpu.memory_space<vmem>>) semaphore(%run_scoped3A : memref<!tpu.dma_semaphore, #tpu.memory_space<semaphore_mem>>) {add = true}
        %dma_wait3A = arith.constant 0 : i32
        %dma_wait3A_28 = arith.constant 0 : i32
        %dma_wait3A_29 = tpu.memref_slice %arg8[%dma_wait3A, %dma_wait3A_28] : memref<50000x32xf32, #tpu.memory_space<vmem_shared>> -> memref<50000x32xf32, #tpu.memory_space<vmem_shared>>
        tpu.wait_indirect_dma semaphore(%run_scoped3A : memref<!tpu.dma_semaphore, #tpu.memory_space<semaphore_mem>>) src(%arg7 : memref<200x32xf32, #tpu.memory_space<vmem>>) dst(%dma_wait3A_29 : memref<50000x32xf32, #tpu.memory_space<vmem_shared>>)
        tpu.yield
      }) : () -> ()
      %add3A_20 = arith.constant 400000 : i32
      %add3A_21 = arith.addi %add3A_20, %add3A : i32
      "tpu.region"() ({
        %run_scoped3A = tpu.sem_alloc : memref<!tpu.dma_semaphore, #tpu.memory_space<semaphore_mem>>
        %dma_start3A = tpu.memref_slice %arg3[%add3A_21] : memref<800000xi32, #tpu.memory_space<hbm>> -> memref<200xi32, #tpu.memory_space<hbm>>
        %dma_start3A_26 = tpu.memref_slice %arg3[%add3A_21] : memref<800000xi32, #tpu.memory_space<hbm>> -> memref<200xi32, #tpu.memory_space<hbm>>
        tpu.enqueue_dma source(%dma_start3A_26 : memref<200xi32, #tpu.memory_space<hbm>>) target(%arg6 : memref<200xi32, #tpu.memory_space<vmem>>) target_semaphore(%run_scoped3A : memref<!tpu.dma_semaphore, #tpu.memory_space<semaphore_mem>>)
        %dma_wait3A = tpu.memref_slice %arg3[%add3A_21] : memref<800000xi32, #tpu.memory_space<hbm>> -> memref<200xi32, #tpu.memory_space<hbm>>
        %dma_wait3A_27 = tpu.memref_slice %arg3[%add3A_21] : memref<800000xi32, #tpu.memory_space<hbm>> -> memref<200xi32, #tpu.memory_space<hbm>>
        tpu.wait_dma2 semaphore(%run_scoped3A : memref<!tpu.dma_semaphore, #tpu.memory_space<semaphore_mem>>) src(%dma_wait3A_27 : memref<200xi32, #tpu.memory_space<hbm>>) dst(%arg6 : memref<200xi32, #tpu.memory_space<vmem>>)
        tpu.yield
      }) : () -> ()
      %mul3A_22 = arith.constant 32 : i32
      %mul3A_23 = arith.muli %mul3A_22, %arg0 : i32
      %add3A_24 = arith.constant 64 : i32
      %add3A_25 = arith.addi %add3A_24, %mul3A_23 : i32
      "tpu.region"() ({
        %run_scoped3A = tpu.sem_alloc : memref<!tpu.dma_semaphore, #tpu.memory_space<semaphore_mem>>
        %dma_start3A = tpu.memref_slice %arg2[%add3A, %add3A_25] : memref<400000x128xf32, #tpu.memory_space<hbm>> -> memref<200x32xf32, #tpu.memory_space<hbm>>
        %dma_start3A_26 = tpu.memref_slice %arg2[%add3A, %add3A_25] : memref<400000x128xf32, #tpu.memory_space<hbm>> -> memref<200x32xf32, #tpu.memory_space<hbm>>
        tpu.enqueue_dma source(%dma_start3A_26 : memref<200x32xf32, #tpu.memory_space<hbm>>) target(%arg7 : memref<200x32xf32, #tpu.memory_space<vmem>>) target_semaphore(%run_scoped3A : memref<!tpu.dma_semaphore, #tpu.memory_space<semaphore_mem>>)
        %dma_wait3A = tpu.memref_slice %arg2[%add3A, %add3A_25] : memref<400000x128xf32, #tpu.memory_space<hbm>> -> memref<200x32xf32, #tpu.memory_space<hbm>>
        %dma_wait3A_27 = tpu.memref_slice %arg2[%add3A, %add3A_25] : memref<400000x128xf32, #tpu.memory_space<hbm>> -> memref<200x32xf32, #tpu.memory_space<hbm>>
        tpu.wait_dma2 semaphore(%run_scoped3A : memref<!tpu.dma_semaphore, #tpu.memory_space<semaphore_mem>>) src(%dma_wait3A_27 : memref<200x32xf32, #tpu.memory_space<hbm>>) dst(%arg7 : memref<200x32xf32, #tpu.memory_space<vmem>>)
        tpu.yield
      }) : () -> ()
      "tpu.region"() ({
        %run_scoped3A = tpu.sem_alloc : memref<!tpu.dma_semaphore, #tpu.memory_space<semaphore_mem>>
        %dma_start3A = arith.constant 0 : i32
        %dma_start3A_26 = arith.constant 0 : i32
        %dma_start3A_27 = tpu.memref_slice %arg8[%dma_start3A, %dma_start3A_26] : memref<50000x32xf32, #tpu.memory_space<vmem_shared>> -> memref<50000x32xf32, #tpu.memory_space<vmem_shared>>
        tpu.enqueue_indirect_dma source(%arg7 : memref<200x32xf32, #tpu.memory_space<vmem>>) target(%dma_start3A_27 : memref<50000x32xf32, #tpu.memory_space<vmem_shared>>) offsets(%arg6 : memref<200xi32, #tpu.memory_space<vmem>>) semaphore(%run_scoped3A : memref<!tpu.dma_semaphore, #tpu.memory_space<semaphore_mem>>) {add = true}
        %dma_wait3A = arith.constant 0 : i32
        %dma_wait3A_28 = arith.constant 0 : i32
        %dma_wait3A_29 = tpu.memref_slice %arg8[%dma_wait3A, %dma_wait3A_28] : memref<50000x32xf32, #tpu.memory_space<vmem_shared>> -> memref<50000x32xf32, #tpu.memory_space<vmem_shared>>
        tpu.wait_indirect_dma semaphore(%run_scoped3A : memref<!tpu.dma_semaphore, #tpu.memory_space<semaphore_mem>>) src(%arg7 : memref<200x32xf32, #tpu.memory_space<vmem>>) dst(%dma_wait3A_29 : memref<50000x32xf32, #tpu.memory_space<vmem_shared>>)
        tpu.yield
      }) : () -> ()
    }
    %scan3A_9 = arith.constant 125 : i32
    %barrier3A_10 = arith.constant 0 : index
    tpu.barrier barrier_id(%barrier3A_10)
    %mul3A_11 = arith.constant 3125 : i32
    %mul3A_12 = arith.muli %arg1, %mul3A_11 : i32
    %mul3A_13 = arith.constant 3125 : i32
    %mul3A_14 = arith.muli %arg1, %mul3A_13 : i32
    "tpu.region"() ({
      %run_scoped3A = tpu.sem_alloc : memref<!tpu.dma_semaphore, #tpu.memory_space<semaphore_mem>>
      %dma_start3A = arith.constant 0 : i32
      %dma_start3A_15 = tpu.memref_slice %arg5[%arg0, %mul3A_14, %dma_start3A] : memref<2x50000x128xf32, #tpu.memory_space<hbm>> -> memref<1x3125x32xf32, #tpu.memory_space<hbm>>
      %dma_start3A_16 = tpu.memref_squeeze %dma_start3A_15 : memref<1x3125x32xf32, #tpu.memory_space<hbm>> -> memref<3125x32xf32, #tpu.memory_space<hbm>>
      %dma_start3A_17 = arith.constant 0 : i32
      %dma_start3A_18 = tpu.memref_slice %arg8[%mul3A_12, %dma_start3A_17] : memref<50000x32xf32, #tpu.memory_space<vmem_shared>> -> memref<3125x32xf32, #tpu.memory_space<vmem_shared>>
      tpu.enqueue_dma source(%dma_start3A_18 : memref<3125x32xf32, #tpu.memory_space<vmem_shared>>) target(%dma_start3A_16 : memref<3125x32xf32, #tpu.memory_space<hbm>>) target_semaphore(%run_scoped3A : memref<!tpu.dma_semaphore, #tpu.memory_space<semaphore_mem>>)
      %dma_wait3A = arith.constant 0 : i32
      %dma_wait3A_19 = tpu.memref_slice %arg5[%arg0, %mul3A_14, %dma_wait3A] : memref<2x50000x128xf32, #tpu.memory_space<hbm>> -> memref<1x3125x32xf32, #tpu.memory_space<hbm>>
      %dma_wait3A_20 = tpu.memref_squeeze %dma_wait3A_19 : memref<1x3125x32xf32, #tpu.memory_space<hbm>> -> memref<3125x32xf32, #tpu.memory_space<hbm>>
      %dma_wait3A_21 = arith.constant 0 : i32
      %dma_wait3A_22 = tpu.memref_slice %arg8[%mul3A_12, %dma_wait3A_21] : memref<50000x32xf32, #tpu.memory_space<vmem_shared>> -> memref<3125x32xf32, #tpu.memory_space<vmem_shared>>
      tpu.wait_dma2 semaphore(%run_scoped3A : memref<!tpu.dma_semaphore, #tpu.memory_space<semaphore_mem>>) src(%dma_wait3A_22 : memref<3125x32xf32, #tpu.memory_space<vmem_shared>>) dst(%dma_wait3A_20 : memref<3125x32xf32, #tpu.memory_space<hbm>>)
      tpu.yield
    }) : () -> ()
    return
  }
}

module attributes {stable_mosaic.version = 14 : i64} {
  func.func @_p1_body(%arg0: i32, %arg1: memref<2000x2xf32, #tpu.memory_space<vmem>>, %arg2: memref<2000x4xf32, #tpu.memory_space<vmem>>, %arg3: memref<2000x1xf32, #tpu.memory_space<vmem>>, %arg4: memref<1x64xf32, #tpu.memory_space<vmem>>, %arg5: memref<2x64xf32, #tpu.memory_space<vmem>>, %arg6: memref<3x64x64xf32, #tpu.memory_space<vmem>>, %arg7: memref<12x64xf32, #tpu.memory_space<vmem>>, %arg8: memref<2000x64xf32, #tpu.memory_space<vmem>>, %arg9: memref<2000x64xf32, #tpu.memory_space<vmem>>, %arg10: memref<2000x64xf32, #tpu.memory_space<vmem>>) attributes {dimension_semantics = [#tpu.dimension_semantics<arbitrary>], iteration_bounds = array<i64: 25>, scalar_prefetch = 0 : i64, scratch_operands = 0 : i64, tpu.core_type = #tpu.core_type<tc>, window_params = [{transform_indices = @transform_0, window_bounds = array<i64: 2000, 2>}, {transform_indices = @transform_1, window_bounds = array<i64: 2000, 4>}, {transform_indices = @transform_2, window_bounds = array<i64: 2000, 1>}, {pipeline_mode = #tpu.pipeline_mode<synchronous>, transform_indices = @transform_3, window_bounds = array<i64: 1, 64>}, {pipeline_mode = #tpu.pipeline_mode<synchronous>, transform_indices = @transform_4, window_bounds = array<i64: 2, 64>}, {pipeline_mode = #tpu.pipeline_mode<synchronous>, transform_indices = @transform_5, window_bounds = array<i64: 3, 64, 64>}, {pipeline_mode = #tpu.pipeline_mode<synchronous>, transform_indices = @transform_6, window_bounds = array<i64: 12, 64>}, {transform_indices = @transform_7, window_bounds = array<i64: 2000, 64>}, {transform_indices = @transform_8, window_bounds = array<i64: 2000, 64>}, {transform_indices = @transform_9, window_bounds = array<i64: 2000, 64>}]} {
    %get3A = arith.constant 0 : index
    %get3A_0 = arith.constant 0 : index
    %get3A_1 = vector.load %arg1[%get3A, %get3A_0] : memref<2000x2xf32, #tpu.memory_space<vmem>>, vector<2000x1xf32>
    %get3A_2 = arith.constant 0 : index
    %get3A_3 = arith.constant 1 : index
    %get3A_4 = vector.load %arg1[%get3A_2, %get3A_3] : memref<2000x2xf32, #tpu.memory_space<vmem>>, vector<2000x1xf32>
    %get3A_5 = arith.constant 0 : index
    %get3A_6 = arith.constant 0 : index
    %get3A_7 = vector.load %arg2[%get3A_5, %get3A_6] : memref<2000x4xf32, #tpu.memory_space<vmem>>, vector<2000x4xf32>
    %slice3A = vector.extract_strided_slice %get3A_7 {offsets = [0, 0], sizes = [2000, 1], strides = [1, 1]} : vector<2000x4xf32> to vector<2000x1xf32>
    %slice3A_8 = vector.extract_strided_slice %get3A_7 {offsets = [0, 1], sizes = [2000, 1], strides = [1, 1]} : vector<2000x4xf32> to vector<2000x1xf32>
    %slice3A_9 = vector.extract_strided_slice %get3A_7 {offsets = [0, 2], sizes = [2000, 1], strides = [1, 1]} : vector<2000x4xf32> to vector<2000x1xf32>
    %slice3A_10 = vector.extract_strided_slice %get3A_7 {offsets = [0, 3], sizes = [2000, 1], strides = [1, 1]} : vector<2000x4xf32> to vector<2000x1xf32>
    %mul3A = arith.mulf %get3A_1, %slice3A : vector<2000x1xf32>
    %mul3A_11 = arith.mulf %get3A_4, %slice3A_9 : vector<2000x1xf32>
    %add3A = arith.addf %mul3A, %mul3A_11 : vector<2000x1xf32>
    %mul3A_12 = arith.mulf %get3A_1, %slice3A_8 : vector<2000x1xf32>
    %mul3A_13 = arith.mulf %get3A_4, %slice3A_10 : vector<2000x1xf32>
    %add3A_14 = arith.addf %mul3A_12, %mul3A_13 : vector<2000x1xf32>
    %get3A_15 = arith.constant 0 : index
    %get3A_16 = arith.constant 0 : index
    %get3A_17 = vector.load %arg5[%get3A_15, %get3A_16] : memref<2x64xf32, #tpu.memory_space<vmem>>, vector<2x64xf32>
    %iota3A = tpu.iota {dimensions = array<i32: 0>} : vector<64x64xi32>
    %jit3A = arith.constant 64 : i32
    %div3A = vector.broadcast %jit3A : i32 to vector<64x64xi32>
    %div3A_18 = arith.divsi %iota3A, %div3A : vector<64x64xi32>
    %sign3A = arith.constant 0 : i32
    %sign3A_19 = vector.broadcast %sign3A : i32 to vector<64x64xi32>
    %sign3A_20 = arith.cmpi sgt, %iota3A, %sign3A_19 : vector<64x64xi32>
    %sign3A_21 = arith.extui %sign3A_20 : vector<64x64xi1> to vector<64x64xi32>
    %sign3A_22 = arith.constant 0 : i32
    %sign3A_23 = vector.broadcast %sign3A_22 : i32 to vector<64x64xi32>
    %sign3A_24 = arith.cmpi slt, %iota3A, %sign3A_23 : vector<64x64xi32>
    %sign3A_25 = arith.extui %sign3A_24 : vector<64x64xi1> to vector<64x64xi32>
    %sign3A_26 = arith.subi %sign3A_21, %sign3A_25 : vector<64x64xi32>
    %sign3A_27 = arith.constant 0 : i32
    %sign3A_28 = arith.cmpi sgt, %jit3A, %sign3A_27 : i32
    %sign3A_29 = arith.extui %sign3A_28 : i1 to i32
    %sign3A_30 = arith.constant 0 : i32
    %sign3A_31 = arith.cmpi slt, %jit3A, %sign3A_30 : i32
    %sign3A_32 = arith.extui %sign3A_31 : i1 to i32
    %sign3A_33 = arith.subi %sign3A_29, %sign3A_32 : i32
    %ne3A = vector.broadcast %sign3A_33 : i32 to vector<64x64xi32>
    %ne3A_34 = arith.cmpi ne, %sign3A_26, %ne3A : vector<64x64xi32>
    %rem3A = vector.broadcast %jit3A : i32 to vector<64x64xi32>
    %rem3A_35 = arith.remsi %iota3A, %rem3A : vector<64x64xi32>
    %ne3A_36 = arith.constant 0 : i32
    %ne3A_37 = vector.broadcast %ne3A_36 : i32 to vector<64x64xi32>
    %ne3A_38 = arith.cmpi ne, %rem3A_35, %ne3A_37 : vector<64x64xi32>
    %and3A = arith.andi %ne3A_34, %ne3A_38 : vector<64x64xi1>
    %sub3A = arith.constant 1 : i32
    %sub3A_39 = vector.broadcast %sub3A : i32 to vector<64x64xi32>
    %sub3A_40 = arith.subi %div3A_18, %sub3A_39 : vector<64x64xi32>
    %select_n3A = arith.select %and3A, %sub3A_40, %div3A_18 : vector<64x64xi1>, vector<64x64xi32>
    %iota3A_41 = tpu.iota {dimensions = array<i32: 1>} : vector<64x64xi32>
    %jit3A_42 = arith.constant 64 : i32
    %div3A_43 = vector.broadcast %jit3A_42 : i32 to vector<64x64xi32>
    %div3A_44 = arith.divsi %iota3A_41, %div3A_43 : vector<64x64xi32>
    %sign3A_45 = arith.constant 0 : i32
    %sign3A_46 = vector.broadcast %sign3A_45 : i32 to vector<64x64xi32>
    %sign3A_47 = arith.cmpi sgt, %iota3A_41, %sign3A_46 : vector<64x64xi32>
    %sign3A_48 = arith.extui %sign3A_47 : vector<64x64xi1> to vector<64x64xi32>
    %sign3A_49 = arith.constant 0 : i32
    %sign3A_50 = vector.broadcast %sign3A_49 : i32 to vector<64x64xi32>
    %sign3A_51 = arith.cmpi slt, %iota3A_41, %sign3A_50 : vector<64x64xi32>
    %sign3A_52 = arith.extui %sign3A_51 : vector<64x64xi1> to vector<64x64xi32>
    %sign3A_53 = arith.subi %sign3A_48, %sign3A_52 : vector<64x64xi32>
    %sign3A_54 = arith.constant 0 : i32
    %sign3A_55 = arith.cmpi sgt, %jit3A_42, %sign3A_54 : i32
    %sign3A_56 = arith.extui %sign3A_55 : i1 to i32
    %sign3A_57 = arith.constant 0 : i32
    %sign3A_58 = arith.cmpi slt, %jit3A_42, %sign3A_57 : i32
    %sign3A_59 = arith.extui %sign3A_58 : i1 to i32
    %sign3A_60 = arith.subi %sign3A_56, %sign3A_59 : i32
    %ne3A_61 = vector.broadcast %sign3A_60 : i32 to vector<64x64xi32>
    %ne3A_62 = arith.cmpi ne, %sign3A_53, %ne3A_61 : vector<64x64xi32>
    %rem3A_63 = vector.broadcast %jit3A_42 : i32 to vector<64x64xi32>
    %rem3A_64 = arith.remsi %iota3A_41, %rem3A_63 : vector<64x64xi32>
    %ne3A_65 = arith.constant 0 : i32
    %ne3A_66 = vector.broadcast %ne3A_65 : i32 to vector<64x64xi32>
    %ne3A_67 = arith.cmpi ne, %rem3A_64, %ne3A_66 : vector<64x64xi32>
    %and3A_68 = arith.andi %ne3A_62, %ne3A_67 : vector<64x64xi1>
    %sub3A_69 = arith.constant 1 : i32
    %sub3A_70 = vector.broadcast %sub3A_69 : i32 to vector<64x64xi32>
    %sub3A_71 = arith.subi %div3A_44, %sub3A_70 : vector<64x64xi32>
    %select_n3A_72 = arith.select %and3A_68, %sub3A_71, %div3A_44 : vector<64x64xi1>, vector<64x64xi32>
    %eq3A = arith.cmpi eq, %select_n3A, %select_n3A_72 : vector<64x64xi32>
    %convert_element_type3A = arith.extui %eq3A : vector<64x64xi1> to vector<64x64xi32>
    %convert_element_type3A_73 = arith.sitofp %convert_element_type3A : vector<64x64xi32> to vector<64x64xf32>
    %mul3A_74 = arith.constant 1.562500e-02 : f32
    %mul3A_75 = vector.broadcast %mul3A_74 : f32 to vector<64x64xf32>
    %mul3A_76 = arith.mulf %convert_element_type3A_73, %mul3A_75 : vector<64x64xf32>
    %slice3A_77 = vector.extract_strided_slice %get3A_17 {offsets = [0, 0], sizes = [1, 64], strides = [1, 1]} : vector<2x64xf32> to vector<1x64xf32>
    %mul3A_78 = vector.broadcast %add3A : vector<2000x1xf32> to vector<2000x64xf32>
    %mul3A_79 = vector.broadcast %slice3A_77 : vector<1x64xf32> to vector<2000x64xf32>
    %mul3A_80 = arith.mulf %mul3A_78, %mul3A_79 : vector<2000x64xf32>
    %slice3A_81 = vector.extract_strided_slice %get3A_17 {offsets = [1, 0], sizes = [1, 64], strides = [1, 1]} : vector<2x64xf32> to vector<1x64xf32>
    %mul3A_82 = vector.broadcast %add3A_14 : vector<2000x1xf32> to vector<2000x64xf32>
    %mul3A_83 = vector.broadcast %slice3A_81 : vector<1x64xf32> to vector<2000x64xf32>
    %mul3A_84 = arith.mulf %mul3A_82, %mul3A_83 : vector<2000x64xf32>
    %add3A_85 = arith.addf %mul3A_80, %mul3A_84 : vector<2000x64xf32>
    %get3A_86 = arith.constant 0 : index
    %get3A_87 = arith.constant 0 : index
    %get3A_88 = vector.load %arg7[%get3A_86, %get3A_87] : memref<12x64xf32, #tpu.memory_space<vmem>>, vector<1x64xf32>
    %get3A_89 = vector.shape_cast %get3A_88 : vector<1x64xf32> to vector<64xf32>
    %broadcast_in_dim3A = vector.shape_cast %get3A_89 : vector<64xf32> to vector<1x64xf32>
    %add3A_90 = vector.broadcast %broadcast_in_dim3A : vector<1x64xf32> to vector<2000x64xf32>
    %add3A_91 = arith.addf %add3A_85, %add3A_90 : vector<2000x64xf32>
    %get3A_92 = arith.constant 1 : index
    %get3A_93 = arith.constant 0 : index
    %get3A_94 = vector.load %arg7[%get3A_92, %get3A_93] : memref<12x64xf32, #tpu.memory_space<vmem>>, vector<1x64xf32>
    %get3A_95 = vector.shape_cast %get3A_94 : vector<1x64xf32> to vector<64xf32>
    %get3A_96 = arith.constant 2 : index
    %get3A_97 = arith.constant 0 : index
    %get3A_98 = vector.load %arg7[%get3A_96, %get3A_97] : memref<12x64xf32, #tpu.memory_space<vmem>>, vector<1x64xf32>
    %get3A_99 = vector.shape_cast %get3A_98 : vector<1x64xf32> to vector<64xf32>
    %dot_general3A = arith.constant dense<0.000000e+00> : vector<2000x64xf32>
    %dot_general3A_100 = tpu.matmul %add3A_91, %mul3A_76, %dot_general3A {dimension_numbers = #tpu.dot_dimension_numbers<[1], [0], [0], [1], [0, 0, 1, 1], [], []>, transpose_lhs_hint = false} : vector<2000x64xf32>, vector<64x64xf32>, vector<2000x64xf32> -> vector<2000x64xf32>
    %sub3A_101 = arith.subf %add3A_91, %dot_general3A_100 : vector<2000x64xf32>
    %mul3A_102 = arith.mulf %sub3A_101, %sub3A_101 : vector<2000x64xf32>
    %dot_general3A_103 = arith.constant dense<0.000000e+00> : vector<2000x64xf32>
    %dot_general3A_104 = tpu.matmul %mul3A_102, %mul3A_76, %dot_general3A_103 {dimension_numbers = #tpu.dot_dimension_numbers<[1], [0], [0], [1], [0, 0, 1, 1], [], []>, transpose_lhs_hint = false} : vector<2000x64xf32>, vector<64x64xf32>, vector<2000x64xf32> -> vector<2000x64xf32>
    %add3A_105 = arith.constant 9.99999974E-6 : f32
    %add3A_106 = vector.broadcast %add3A_105 : f32 to vector<2000x64xf32>
    %add3A_107 = arith.addf %dot_general3A_104, %add3A_106 : vector<2000x64xf32>
    %rsqrt3A = math.rsqrt %add3A_107 : vector<2000x64xf32>
    %mul3A_108 = arith.mulf %sub3A_101, %rsqrt3A : vector<2000x64xf32>
    %broadcast_in_dim3A_109 = vector.shape_cast %get3A_95 : vector<64xf32> to vector<1x64xf32>
    %mul3A_110 = vector.broadcast %broadcast_in_dim3A_109 : vector<1x64xf32> to vector<2000x64xf32>
    %mul3A_111 = arith.mulf %mul3A_108, %mul3A_110 : vector<2000x64xf32>
    %broadcast_in_dim3A_112 = vector.shape_cast %get3A_99 : vector<64xf32> to vector<1x64xf32>
    %add3A_113 = vector.broadcast %broadcast_in_dim3A_112 : vector<1x64xf32> to vector<2000x64xf32>
    %add3A_114 = arith.addf %mul3A_111, %add3A_113 : vector<2000x64xf32>
    %max3A = arith.constant 0.000000e+00 : f32
    %max3A_115 = vector.broadcast %max3A : f32 to vector<2000x64xf32>
    %max3A_116 = arith.maximumf %add3A_114, %max3A_115 : vector<2000x64xf32>
    %get3A_117 = arith.constant 0 : index
    %get3A_118 = arith.constant 0 : index
    %get3A_119 = arith.constant 0 : index
    %get3A_120 = vector.load %arg6[%get3A_117, %get3A_118, %get3A_119] : memref<3x64x64xf32, #tpu.memory_space<vmem>>, vector<1x64x64xf32>
    %get3A_121 = vector.shape_cast %get3A_120 : vector<1x64x64xf32> to vector<64x64xf32>
    %dot_general3A_122 = arith.constant dense<0.000000e+00> : vector<2000x64xf32>
    %dot_general3A_123 = tpu.matmul %max3A_116, %get3A_121, %dot_general3A_122 {dimension_numbers = #tpu.dot_dimension_numbers<[1], [0], [0], [1], [0, 0, 1, 1], [], []>, transpose_lhs_hint = false} : vector<2000x64xf32>, vector<64x64xf32>, vector<2000x64xf32> -> vector<2000x64xf32>
    %get3A_124 = arith.constant 3 : index
    %get3A_125 = arith.constant 0 : index
    %get3A_126 = vector.load %arg7[%get3A_124, %get3A_125] : memref<12x64xf32, #tpu.memory_space<vmem>>, vector<1x64xf32>
    %get3A_127 = vector.shape_cast %get3A_126 : vector<1x64xf32> to vector<64xf32>
    %broadcast_in_dim3A_128 = vector.shape_cast %get3A_127 : vector<64xf32> to vector<1x64xf32>
    %add3A_129 = vector.broadcast %broadcast_in_dim3A_128 : vector<1x64xf32> to vector<2000x64xf32>
    %add3A_130 = arith.addf %dot_general3A_123, %add3A_129 : vector<2000x64xf32>
    %get3A_131 = arith.constant 4 : index
    %get3A_132 = arith.constant 0 : index
    %get3A_133 = vector.load %arg7[%get3A_131, %get3A_132] : memref<12x64xf32, #tpu.memory_space<vmem>>, vector<1x64xf32>
    %get3A_134 = vector.shape_cast %get3A_133 : vector<1x64xf32> to vector<64xf32>
    %get3A_135 = arith.constant 5 : index
    %get3A_136 = arith.constant 0 : index
    %get3A_137 = vector.load %arg7[%get3A_135, %get3A_136] : memref<12x64xf32, #tpu.memory_space<vmem>>, vector<1x64xf32>
    %get3A_138 = vector.shape_cast %get3A_137 : vector<1x64xf32> to vector<64xf32>
    %dot_general3A_139 = arith.constant dense<0.000000e+00> : vector<2000x64xf32>
    %dot_general3A_140 = tpu.matmul %add3A_130, %mul3A_76, %dot_general3A_139 {dimension_numbers = #tpu.dot_dimension_numbers<[1], [0], [0], [1], [0, 0, 1, 1], [], []>, transpose_lhs_hint = false} : vector<2000x64xf32>, vector<64x64xf32>, vector<2000x64xf32> -> vector<2000x64xf32>
    %sub3A_141 = arith.subf %add3A_130, %dot_general3A_140 : vector<2000x64xf32>
    %mul3A_142 = arith.mulf %sub3A_141, %sub3A_141 : vector<2000x64xf32>
    %dot_general3A_143 = arith.constant dense<0.000000e+00> : vector<2000x64xf32>
    %dot_general3A_144 = tpu.matmul %mul3A_142, %mul3A_76, %dot_general3A_143 {dimension_numbers = #tpu.dot_dimension_numbers<[1], [0], [0], [1], [0, 0, 1, 1], [], []>, transpose_lhs_hint = false} : vector<2000x64xf32>, vector<64x64xf32>, vector<2000x64xf32> -> vector<2000x64xf32>
    %add3A_145 = arith.constant 9.99999974E-6 : f32
    %add3A_146 = vector.broadcast %add3A_145 : f32 to vector<2000x64xf32>
    %add3A_147 = arith.addf %dot_general3A_144, %add3A_146 : vector<2000x64xf32>
    %rsqrt3A_148 = math.rsqrt %add3A_147 : vector<2000x64xf32>
    %mul3A_149 = arith.mulf %sub3A_141, %rsqrt3A_148 : vector<2000x64xf32>
    %broadcast_in_dim3A_150 = vector.shape_cast %get3A_134 : vector<64xf32> to vector<1x64xf32>
    %mul3A_151 = vector.broadcast %broadcast_in_dim3A_150 : vector<1x64xf32> to vector<2000x64xf32>
    %mul3A_152 = arith.mulf %mul3A_149, %mul3A_151 : vector<2000x64xf32>
    %broadcast_in_dim3A_153 = vector.shape_cast %get3A_138 : vector<64xf32> to vector<1x64xf32>
    %add3A_154 = vector.broadcast %broadcast_in_dim3A_153 : vector<1x64xf32> to vector<2000x64xf32>
    %add3A_155 = arith.addf %mul3A_152, %add3A_154 : vector<2000x64xf32>
    %max3A_156 = arith.constant 0.000000e+00 : f32
    %max3A_157 = vector.broadcast %max3A_156 : f32 to vector<2000x64xf32>
    %max3A_158 = arith.maximumf %add3A_155, %max3A_157 : vector<2000x64xf32>
    %get3A_159 = arith.constant 1 : index
    %get3A_160 = arith.constant 0 : index
    %get3A_161 = arith.constant 0 : index
    %get3A_162 = vector.load %arg6[%get3A_159, %get3A_160, %get3A_161] : memref<3x64x64xf32, #tpu.memory_space<vmem>>, vector<1x64x64xf32>
    %get3A_163 = vector.shape_cast %get3A_162 : vector<1x64x64xf32> to vector<64x64xf32>
    %dot_general3A_164 = arith.constant dense<0.000000e+00> : vector<2000x64xf32>
    %dot_general3A_165 = tpu.matmul %max3A_158, %get3A_163, %dot_general3A_164 {dimension_numbers = #tpu.dot_dimension_numbers<[1], [0], [0], [1], [0, 0, 1, 1], [], []>, transpose_lhs_hint = false} : vector<2000x64xf32>, vector<64x64xf32>, vector<2000x64xf32> -> vector<2000x64xf32>
    %get3A_166 = arith.constant 6 : index
    %get3A_167 = arith.constant 0 : index
    %get3A_168 = vector.load %arg7[%get3A_166, %get3A_167] : memref<12x64xf32, #tpu.memory_space<vmem>>, vector<1x64xf32>
    %get3A_169 = vector.shape_cast %get3A_168 : vector<1x64xf32> to vector<64xf32>
    %broadcast_in_dim3A_170 = vector.shape_cast %get3A_169 : vector<64xf32> to vector<1x64xf32>
    %add3A_171 = vector.broadcast %broadcast_in_dim3A_170 : vector<1x64xf32> to vector<2000x64xf32>
    %add3A_172 = arith.addf %dot_general3A_165, %add3A_171 : vector<2000x64xf32>
    %get3A_173 = arith.constant 7 : index
    %get3A_174 = arith.constant 0 : index
    %get3A_175 = vector.load %arg7[%get3A_173, %get3A_174] : memref<12x64xf32, #tpu.memory_space<vmem>>, vector<1x64xf32>
    %get3A_176 = vector.shape_cast %get3A_175 : vector<1x64xf32> to vector<64xf32>
    %get3A_177 = arith.constant 8 : index
    %get3A_178 = arith.constant 0 : index
    %get3A_179 = vector.load %arg7[%get3A_177, %get3A_178] : memref<12x64xf32, #tpu.memory_space<vmem>>, vector<1x64xf32>
    %get3A_180 = vector.shape_cast %get3A_179 : vector<1x64xf32> to vector<64xf32>
    %dot_general3A_181 = arith.constant dense<0.000000e+00> : vector<2000x64xf32>
    %dot_general3A_182 = tpu.matmul %add3A_172, %mul3A_76, %dot_general3A_181 {dimension_numbers = #tpu.dot_dimension_numbers<[1], [0], [0], [1], [0, 0, 1, 1], [], []>, transpose_lhs_hint = false} : vector<2000x64xf32>, vector<64x64xf32>, vector<2000x64xf32> -> vector<2000x64xf32>
    %sub3A_183 = arith.subf %add3A_172, %dot_general3A_182 : vector<2000x64xf32>
    %mul3A_184 = arith.mulf %sub3A_183, %sub3A_183 : vector<2000x64xf32>
    %dot_general3A_185 = arith.constant dense<0.000000e+00> : vector<2000x64xf32>
    %dot_general3A_186 = tpu.matmul %mul3A_184, %mul3A_76, %dot_general3A_185 {dimension_numbers = #tpu.dot_dimension_numbers<[1], [0], [0], [1], [0, 0, 1, 1], [], []>, transpose_lhs_hint = false} : vector<2000x64xf32>, vector<64x64xf32>, vector<2000x64xf32> -> vector<2000x64xf32>
    %add3A_187 = arith.constant 9.99999974E-6 : f32
    %add3A_188 = vector.broadcast %add3A_187 : f32 to vector<2000x64xf32>
    %add3A_189 = arith.addf %dot_general3A_186, %add3A_188 : vector<2000x64xf32>
    %rsqrt3A_190 = math.rsqrt %add3A_189 : vector<2000x64xf32>
    %mul3A_191 = arith.mulf %sub3A_183, %rsqrt3A_190 : vector<2000x64xf32>
    %broadcast_in_dim3A_192 = vector.shape_cast %get3A_176 : vector<64xf32> to vector<1x64xf32>
    %mul3A_193 = vector.broadcast %broadcast_in_dim3A_192 : vector<1x64xf32> to vector<2000x64xf32>
    %mul3A_194 = arith.mulf %mul3A_191, %mul3A_193 : vector<2000x64xf32>
    %broadcast_in_dim3A_195 = vector.shape_cast %get3A_180 : vector<64xf32> to vector<1x64xf32>
    %add3A_196 = vector.broadcast %broadcast_in_dim3A_195 : vector<1x64xf32> to vector<2000x64xf32>
    %add3A_197 = arith.addf %mul3A_194, %add3A_196 : vector<2000x64xf32>
    %get3A_198 = arith.constant 0 : index
    %get3A_199 = arith.constant 0 : index
    %get3A_200 = vector.load %arg3[%get3A_198, %get3A_199] : memref<2000x1xf32, #tpu.memory_space<vmem>>, vector<2000x1xf32>
    %sub3A_201 = arith.constant 1.000000e+00 : f32
    %sub3A_202 = vector.broadcast %sub3A_201 : f32 to vector<2000x1xf32>
    %sub3A_203 = arith.subf %sub3A_202, %get3A_200 : vector<2000x1xf32>
    %mul3A_204 = vector.broadcast %sub3A_203 : vector<2000x1xf32> to vector<2000x64xf32>
    %mul3A_205 = arith.mulf %add3A_197, %mul3A_204 : vector<2000x64xf32>
    %get3A_206 = arith.constant 0 : index
    %get3A_207 = arith.constant 0 : index
    %get3A_208 = vector.load %arg4[%get3A_206, %get3A_207] : memref<1x64xf32, #tpu.memory_space<vmem>>, vector<1x64xf32>
    %mul3A_209 = vector.broadcast %get3A_208 : vector<1x64xf32> to vector<2000x64xf32>
    %mul3A_210 = vector.broadcast %get3A_200 : vector<2000x1xf32> to vector<2000x64xf32>
    %mul3A_211 = arith.mulf %mul3A_209, %mul3A_210 : vector<2000x64xf32>
    %add3A_212 = arith.addf %mul3A_205, %mul3A_211 : vector<2000x64xf32>
    %get3A_213 = arith.constant 9 : index
    %get3A_214 = arith.constant 0 : index
    %get3A_215 = vector.load %arg7[%get3A_213, %get3A_214] : memref<12x64xf32, #tpu.memory_space<vmem>>, vector<1x64xf32>
    %get3A_216 = vector.shape_cast %get3A_215 : vector<1x64xf32> to vector<64xf32>
    %get3A_217 = arith.constant 10 : index
    %get3A_218 = arith.constant 0 : index
    %get3A_219 = vector.load %arg7[%get3A_217, %get3A_218] : memref<12x64xf32, #tpu.memory_space<vmem>>, vector<1x64xf32>
    %get3A_220 = vector.shape_cast %get3A_219 : vector<1x64xf32> to vector<64xf32>
    %dot_general3A_221 = arith.constant dense<0.000000e+00> : vector<2000x64xf32>
    %dot_general3A_222 = tpu.matmul %add3A_212, %mul3A_76, %dot_general3A_221 {dimension_numbers = #tpu.dot_dimension_numbers<[1], [0], [0], [1], [0, 0, 1, 1], [], []>, transpose_lhs_hint = false} : vector<2000x64xf32>, vector<64x64xf32>, vector<2000x64xf32> -> vector<2000x64xf32>
    %sub3A_223 = arith.subf %add3A_212, %dot_general3A_222 : vector<2000x64xf32>
    %mul3A_224 = arith.mulf %sub3A_223, %sub3A_223 : vector<2000x64xf32>
    %dot_general3A_225 = arith.constant dense<0.000000e+00> : vector<2000x64xf32>
    %dot_general3A_226 = tpu.matmul %mul3A_224, %mul3A_76, %dot_general3A_225 {dimension_numbers = #tpu.dot_dimension_numbers<[1], [0], [0], [1], [0, 0, 1, 1], [], []>, transpose_lhs_hint = false} : vector<2000x64xf32>, vector<64x64xf32>, vector<2000x64xf32> -> vector<2000x64xf32>
    %add3A_227 = arith.constant 9.99999974E-6 : f32
    %add3A_228 = vector.broadcast %add3A_227 : f32 to vector<2000x64xf32>
    %add3A_229 = arith.addf %dot_general3A_226, %add3A_228 : vector<2000x64xf32>
    %rsqrt3A_230 = math.rsqrt %add3A_229 : vector<2000x64xf32>
    %mul3A_231 = arith.mulf %sub3A_223, %rsqrt3A_230 : vector<2000x64xf32>
    %broadcast_in_dim3A_232 = vector.shape_cast %get3A_216 : vector<64xf32> to vector<1x64xf32>
    %mul3A_233 = vector.broadcast %broadcast_in_dim3A_232 : vector<1x64xf32> to vector<2000x64xf32>
    %mul3A_234 = arith.mulf %mul3A_231, %mul3A_233 : vector<2000x64xf32>
    %broadcast_in_dim3A_235 = vector.shape_cast %get3A_220 : vector<64xf32> to vector<1x64xf32>
    %add3A_236 = vector.broadcast %broadcast_in_dim3A_235 : vector<1x64xf32> to vector<2000x64xf32>
    %add3A_237 = arith.addf %mul3A_234, %add3A_236 : vector<2000x64xf32>
    %get3A_238 = arith.constant 2 : index
    %get3A_239 = arith.constant 0 : index
    %get3A_240 = arith.constant 0 : index
    %get3A_241 = vector.load %arg6[%get3A_238, %get3A_239, %get3A_240] : memref<3x64x64xf32, #tpu.memory_space<vmem>>, vector<1x64x64xf32>
    %get3A_242 = vector.shape_cast %get3A_241 : vector<1x64x64xf32> to vector<64x64xf32>
    %dot_general3A_243 = arith.constant dense<0.000000e+00> : vector<2000x64xf32>
    %dot_general3A_244 = tpu.matmul %add3A_237, %get3A_242, %dot_general3A_243 {dimension_numbers = #tpu.dot_dimension_numbers<[1], [0], [0], [1], [0, 0, 1, 1], [], []>, transpose_lhs_hint = false} : vector<2000x64xf32>, vector<64x64xf32>, vector<2000x64xf32> -> vector<2000x64xf32>
    %get3A_245 = arith.constant 11 : index
    %get3A_246 = arith.constant 0 : index
    %get3A_247 = vector.load %arg7[%get3A_245, %get3A_246] : memref<12x64xf32, #tpu.memory_space<vmem>>, vector<1x64xf32>
    %get3A_248 = vector.shape_cast %get3A_247 : vector<1x64xf32> to vector<64xf32>
    %broadcast_in_dim3A_249 = vector.shape_cast %get3A_248 : vector<64xf32> to vector<1x64xf32>
    %add3A_250 = vector.broadcast %broadcast_in_dim3A_249 : vector<1x64xf32> to vector<2000x64xf32>
    %add3A_251 = arith.addf %dot_general3A_244, %add3A_250 : vector<2000x64xf32>
    %swap3A = arith.constant 0 : index
    %swap3A_252 = arith.constant 0 : index
    %swap3A_253 = vector.load %arg8[%swap3A, %swap3A_252] : memref<2000x64xf32, #tpu.memory_space<vmem>>, vector<2000x64xf32>
    tpu.vector_store %arg8[%swap3A, %swap3A_252], %add3A_212 {strides = array<i32>} : memref<2000x64xf32, #tpu.memory_space<vmem>>, vector<2000x64xf32>,
    %swap3A_254 = arith.constant 0 : index
    %swap3A_255 = arith.constant 0 : index
    %swap3A_256 = vector.load %arg9[%swap3A_254, %swap3A_255] : memref<2000x64xf32, #tpu.memory_space<vmem>>, vector<2000x64xf32>
    tpu.vector_store %arg9[%swap3A_254, %swap3A_255], %add3A_237 {strides = array<i32>} : memref<2000x64xf32, #tpu.memory_space<vmem>>, vector<2000x64xf32>,
    %swap3A_257 = arith.constant 0 : index
    %swap3A_258 = arith.constant 0 : index
    %swap3A_259 = vector.load %arg10[%swap3A_257, %swap3A_258] : memref<2000x64xf32, #tpu.memory_space<vmem>>, vector<2000x64xf32>
    tpu.vector_store %arg10[%swap3A_257, %swap3A_258], %add3A_251 {strides = array<i32>} : memref<2000x64xf32, #tpu.memory_space<vmem>>, vector<2000x64xf32>,
    return
  }
  func.func @transform_0(%arg0: i32) -> (i32, i32) {
    %c0_i32 = arith.constant 0 : i32
    %c0_i32_0 = arith.constant 0 : i32
    return %arg0, %c0_i32 : i32, i32
  }
  func.func @transform_1(%arg0: i32) -> (i32, i32) {
    %c0_i32 = arith.constant 0 : i32
    %c0_i32_0 = arith.constant 0 : i32
    return %arg0, %c0_i32 : i32, i32
  }
  func.func @transform_2(%arg0: i32) -> (i32, i32) {
    %c0_i32 = arith.constant 0 : i32
    %c0_i32_0 = arith.constant 0 : i32
    return %arg0, %c0_i32 : i32, i32
  }
  func.func @transform_3(%arg0: i32) -> (i32, i32) {
    %c0_i32 = arith.constant 0 : i32
    %c0_i32_0 = arith.constant 0 : i32
    %c0_i32_1 = arith.constant 0 : i32
    return %c0_i32, %c0_i32_0 : i32, i32
  }
  func.func @transform_4(%arg0: i32) -> (i32, i32) {
    %c0_i32 = arith.constant 0 : i32
    %c0_i32_0 = arith.constant 0 : i32
    %c0_i32_1 = arith.constant 0 : i32
    return %c0_i32, %c0_i32_0 : i32, i32
  }
  func.func @transform_5(%arg0: i32) -> (i32, i32, i32) {
    %c0_i32 = arith.constant 0 : i32
    %c0_i32_0 = arith.constant 0 : i32
    %c0_i32_1 = arith.constant 0 : i32
    %c0_i32_2 = arith.constant 0 : i32
    return %c0_i32, %c0_i32_0, %c0_i32_1 : i32, i32, i32
  }
  func.func @transform_6(%arg0: i32) -> (i32, i32) {
    %c0_i32 = arith.constant 0 : i32
    %c0_i32_0 = arith.constant 0 : i32
    %c0_i32_1 = arith.constant 0 : i32
    return %c0_i32, %c0_i32_0 : i32, i32
  }
  func.func @transform_7(%arg0: i32) -> (i32, i32) {
    %c0_i32 = arith.constant 0 : i32
    %c0_i32_0 = arith.constant 0 : i32
    return %arg0, %c0_i32 : i32, i32
  }
  func.func @transform_8(%arg0: i32) -> (i32, i32) {
    %c0_i32 = arith.constant 0 : i32
    %c0_i32_0 = arith.constant 0 : i32
    return %arg0, %c0_i32 : i32, i32
  }
  func.func @transform_9(%arg0: i32) -> (i32, i32) {
    %c0_i32 = arith.constant 0 : i32
    %c0_i32_0 = arith.constant 0 : i32
    return %arg0, %c0_i32 : i32, i32
  }
}

module attributes {stable_mosaic.version = 14 : i64} {
  func.func @_p3_body(%arg0: i32, %arg1: memref<6400x128xf32, #tpu.memory_space<vmem>>, %arg2: memref<6400x4xf32, #tpu.memory_space<vmem>>, %arg3: memref<8x128xf32, #tpu.memory_space<vmem>>, %arg4: memref<128x64xf32, #tpu.memory_space<vmem>>, %arg5: memref<64x64xf32, #tpu.memory_space<vmem>>, %arg6: memref<64x128xf32, #tpu.memory_space<vmem>>, %arg7: memref<7x128xf32, #tpu.memory_space<vmem>>, %arg8: memref<3200x128xf32, #tpu.memory_space<vmem>>, %arg9: memref<800x128xf32, #tpu.memory_space<vmem>>) attributes {dimension_semantics = [#tpu.dimension_semantics<arbitrary>], iteration_bounds = array<i64: 125>, scalar_prefetch = 0 : i64, scratch_operands = 0 : i64, tpu.core_type = #tpu.core_type<tc>, window_params = [{transform_indices = @transform_0, window_bounds = array<i64: 6400, 128>}, {transform_indices = @transform_1, window_bounds = array<i64: 6400, 4>}, {pipeline_mode = #tpu.pipeline_mode<synchronous>, transform_indices = @transform_2, window_bounds = array<i64: 8, 128>}, {pipeline_mode = #tpu.pipeline_mode<synchronous>, transform_indices = @transform_3, window_bounds = array<i64: 128, 64>}, {pipeline_mode = #tpu.pipeline_mode<synchronous>, transform_indices = @transform_4, window_bounds = array<i64: 64, 64>}, {pipeline_mode = #tpu.pipeline_mode<synchronous>, transform_indices = @transform_5, window_bounds = array<i64: 64, 128>}, {pipeline_mode = #tpu.pipeline_mode<synchronous>, transform_indices = @transform_6, window_bounds = array<i64: 7, 128>}, {transform_indices = @transform_7, window_bounds = array<i64: 3200, 128>}, {transform_indices = @transform_8, window_bounds = array<i64: 800, 128>}]} {
    %get3A = arith.constant 0 : index
    %get3A_0 = arith.constant 0 : index
    %get3A_1 = vector.load %arg1[%get3A, %get3A_0] : memref<6400x128xf32, #tpu.memory_space<vmem>>, vector<6400x128xf32>
    %slice3A = vector.extract_strided_slice %get3A_1 {offsets = [0, 0], sizes = [6400, 64], strides = [1, 1]} : vector<6400x128xf32> to vector<6400x64xf32>
    %slice3A_2 = vector.extract_strided_slice %get3A_1 {offsets = [0, 80], sizes = [6400, 4], strides = [1, 1]} : vector<6400x128xf32> to vector<6400x4xf32>
    %get3A_3 = arith.constant 0 : index
    %get3A_4 = arith.constant 0 : index
    %get3A_5 = vector.load %arg2[%get3A_3, %get3A_4] : memref<6400x4xf32, #tpu.memory_space<vmem>>, vector<6400x4xf32>
    %slice3A_6 = vector.extract_strided_slice %get3A_1 {offsets = [0, 64], sizes = [6400, 4], strides = [1, 1]} : vector<6400x128xf32> to vector<6400x4xf32>
    %mul3A = arith.mulf %get3A_5, %slice3A_6 : vector<6400x4xf32>
    %concatenate3A = tpu.concatenate %slice3A_2, %mul3A in 1 : vector<6400x4xf32>, vector<6400x4xf32> -> vector<6400x8xf32>
    %get3A_7 = arith.constant 0 : index
    %get3A_8 = arith.constant 0 : index
    %get3A_9 = vector.load %arg3[%get3A_7, %get3A_8] : memref<8x128xf32, #tpu.memory_space<vmem>>, vector<8x128xf32>
    %dot_general3A = arith.constant dense<0.000000e+00> : vector<6400x128xf32>
    %dot_general3A_10 = tpu.matmul %concatenate3A, %get3A_9, %dot_general3A {dimension_numbers = #tpu.dot_dimension_numbers<[1], [0], [0], [1], [0, 0, 1, 1], [], []>, transpose_lhs_hint = false} : vector<6400x8xf32>, vector<8x128xf32>, vector<6400x128xf32> -> vector<6400x128xf32>
    %get3A_11 = arith.constant 2 : index
    %get3A_12 = arith.constant 0 : index
    %get3A_13 = vector.load %arg7[%get3A_11, %get3A_12] : memref<7x128xf32, #tpu.memory_space<vmem>>, vector<1x128xf32>
    %get3A_14 = vector.shape_cast %get3A_13 : vector<1x128xf32> to vector<128xf32>
    %broadcast_in_dim3A = vector.shape_cast %get3A_14 : vector<128xf32> to vector<1x128xf32>
    %add3A = vector.broadcast %broadcast_in_dim3A : vector<1x128xf32> to vector<6400x128xf32>
    %add3A_15 = arith.addf %dot_general3A_10, %add3A : vector<6400x128xf32>
    %get3A_16 = arith.constant 0 : index
    %get3A_17 = arith.constant 0 : index
    %get3A_18 = vector.load %arg7[%get3A_16, %get3A_17] : memref<7x128xf32, #tpu.memory_space<vmem>>, vector<1x128xf32>
    %get3A_19 = vector.shape_cast %get3A_18 : vector<1x128xf32> to vector<128xf32>
    %get3A_20 = arith.constant 1 : index
    %get3A_21 = arith.constant 0 : index
    %get3A_22 = vector.load %arg7[%get3A_20, %get3A_21] : memref<7x128xf32, #tpu.memory_space<vmem>>, vector<1x128xf32>
    %get3A_23 = vector.shape_cast %get3A_22 : vector<1x128xf32> to vector<128xf32>
    %iota3A = tpu.iota {dimensions = array<i32: 0>} : vector<128x2xi32>
    %jit3A = arith.constant 64 : i32
    %div3A = vector.broadcast %jit3A : i32 to vector<128x2xi32>
    %div3A_24 = arith.divsi %iota3A, %div3A : vector<128x2xi32>
    %sign3A = arith.constant 0 : i32
    %sign3A_25 = vector.broadcast %sign3A : i32 to vector<128x2xi32>
    %sign3A_26 = arith.cmpi sgt, %iota3A, %sign3A_25 : vector<128x2xi32>
    %sign3A_27 = arith.extui %sign3A_26 : vector<128x2xi1> to vector<128x2xi32>
    %sign3A_28 = arith.constant 0 : i32
    %sign3A_29 = vector.broadcast %sign3A_28 : i32 to vector<128x2xi32>
    %sign3A_30 = arith.cmpi slt, %iota3A, %sign3A_29 : vector<128x2xi32>
    %sign3A_31 = arith.extui %sign3A_30 : vector<128x2xi1> to vector<128x2xi32>
    %sign3A_32 = arith.subi %sign3A_27, %sign3A_31 : vector<128x2xi32>
    %sign3A_33 = arith.constant 0 : i32
    %sign3A_34 = arith.cmpi sgt, %jit3A, %sign3A_33 : i32
    %sign3A_35 = arith.extui %sign3A_34 : i1 to i32
    %sign3A_36 = arith.constant 0 : i32
    %sign3A_37 = arith.cmpi slt, %jit3A, %sign3A_36 : i32
    %sign3A_38 = arith.extui %sign3A_37 : i1 to i32
    %sign3A_39 = arith.subi %sign3A_35, %sign3A_38 : i32
    %ne3A = vector.broadcast %sign3A_39 : i32 to vector<128x2xi32>
    %ne3A_40 = arith.cmpi ne, %sign3A_32, %ne3A : vector<128x2xi32>
    %rem3A = vector.broadcast %jit3A : i32 to vector<128x2xi32>
    %rem3A_41 = arith.remsi %iota3A, %rem3A : vector<128x2xi32>
    %ne3A_42 = arith.constant 0 : i32
    %ne3A_43 = vector.broadcast %ne3A_42 : i32 to vector<128x2xi32>
    %ne3A_44 = arith.cmpi ne, %rem3A_41, %ne3A_43 : vector<128x2xi32>
    %and3A = arith.andi %ne3A_40, %ne3A_44 : vector<128x2xi1>
    %sub3A = arith.constant 1 : i32
    %sub3A_45 = vector.broadcast %sub3A : i32 to vector<128x2xi32>
    %sub3A_46 = arith.subi %div3A_24, %sub3A_45 : vector<128x2xi32>
    %select_n3A = arith.select %and3A, %sub3A_46, %div3A_24 : vector<128x2xi1>, vector<128x2xi32>
    %iota3A_47 = tpu.iota {dimensions = array<i32: 1>} : vector<128x2xi32>
    %eq3A = arith.cmpi eq, %select_n3A, %iota3A_47 : vector<128x2xi32>
    %convert_element_type3A = arith.extui %eq3A : vector<128x2xi1> to vector<128x2xi32>
    %convert_element_type3A_48 = arith.sitofp %convert_element_type3A : vector<128x2xi32> to vector<128x2xf32>
    %mul3A_49 = arith.constant 1.562500e-02 : f32
    %mul3A_50 = vector.broadcast %mul3A_49 : f32 to vector<128x2xf32>
    %mul3A_51 = arith.mulf %convert_element_type3A_48, %mul3A_50 : vector<128x2xf32>
    %mul3A_52 = arith.constant 6.400000e+01 : f32
    %mul3A_53 = vector.broadcast %mul3A_52 : f32 to vector<128x2xf32>
    %mul3A_54 = arith.mulf %mul3A_51, %mul3A_53 : vector<128x2xf32>
    %transpose3A = tpu.transpose %mul3A_54, [1, 0] : vector<128x2xf32> -> vector<2x128xf32>
    %mul3A_55 = arith.mulf %add3A_15, %add3A_15 : vector<6400x128xf32>
    %dot_general3A_56 = arith.constant dense<0.000000e+00> : vector<6400x2xf32>
    %dot_general3A_57 = tpu.matmul %mul3A_55, %mul3A_51, %dot_general3A_56 {dimension_numbers = #tpu.dot_dimension_numbers<[1], [0], [0], [1], [0, 0, 1, 1], [], []>, transpose_lhs_hint = false} : vector<6400x128xf32>, vector<128x2xf32>, vector<6400x2xf32> -> vector<6400x2xf32>
    %add3A_58 = arith.constant 9.99999974E-6 : f32
    %add3A_59 = vector.broadcast %add3A_58 : f32 to vector<6400x2xf32>
    %add3A_60 = arith.addf %dot_general3A_57, %add3A_59 : vector<6400x2xf32>
    %rsqrt3A = math.rsqrt %add3A_60 : vector<6400x2xf32>
    %dot_general3A_61 = arith.constant dense<0.000000e+00> : vector<6400x128xf32>
    %dot_general3A_62 = tpu.matmul %rsqrt3A, %transpose3A, %dot_general3A_61 {dimension_numbers = #tpu.dot_dimension_numbers<[1], [0], [0], [1], [0, 0, 1, 1], [], []>, transpose_lhs_hint = false} : vector<6400x2xf32>, vector<2x128xf32>, vector<6400x128xf32> -> vector<6400x128xf32>
    %mul3A_63 = arith.mulf %add3A_15, %dot_general3A_62 : vector<6400x128xf32>
    %broadcast_in_dim3A_64 = vector.shape_cast %get3A_19 : vector<128xf32> to vector<1x128xf32>
    %mul3A_65 = vector.broadcast %broadcast_in_dim3A_64 : vector<1x128xf32> to vector<6400x128xf32>
    %mul3A_66 = arith.mulf %mul3A_63, %mul3A_65 : vector<6400x128xf32>
    %broadcast_in_dim3A_67 = vector.shape_cast %get3A_23 : vector<128xf32> to vector<1x128xf32>
    %add3A_68 = vector.broadcast %broadcast_in_dim3A_67 : vector<1x128xf32> to vector<6400x128xf32>
    %add3A_69 = arith.addf %mul3A_66, %add3A_68 : vector<6400x128xf32>
    %max3A = arith.constant 0.000000e+00 : f32
    %max3A_70 = vector.broadcast %max3A : f32 to vector<6400x128xf32>
    %max3A_71 = arith.maximumf %add3A_69, %max3A_70 : vector<6400x128xf32>
    %get3A_72 = arith.constant 0 : index
    %get3A_73 = arith.constant 0 : index
    %get3A_74 = vector.load %arg4[%get3A_72, %get3A_73] : memref<128x64xf32, #tpu.memory_space<vmem>>, vector<128x64xf32>
    %dot_general3A_75 = arith.constant dense<0.000000e+00> : vector<6400x64xf32>
    %dot_general3A_76 = tpu.matmul %max3A_71, %get3A_74, %dot_general3A_75 {dimension_numbers = #tpu.dot_dimension_numbers<[1], [0], [0], [1], [0, 0, 1, 1], [], []>, transpose_lhs_hint = false} : vector<6400x128xf32>, vector<128x64xf32>, vector<6400x64xf32> -> vector<6400x64xf32>
    %get3A_77 = arith.constant 3 : index
    %get3A_78 = arith.constant 0 : index
    %get3A_79 = vector.load %arg7[%get3A_77, %get3A_78] : memref<7x128xf32, #tpu.memory_space<vmem>>, vector<1x64xf32>
    %get3A_80 = vector.shape_cast %get3A_79 : vector<1x64xf32> to vector<64xf32>
    %broadcast_in_dim3A_81 = vector.shape_cast %get3A_80 : vector<64xf32> to vector<1x64xf32>
    %add3A_82 = vector.broadcast %broadcast_in_dim3A_81 : vector<1x64xf32> to vector<6400x64xf32>
    %add3A_83 = arith.addf %dot_general3A_76, %add3A_82 : vector<6400x64xf32>
    %get3A_84 = arith.constant 3 : index
    %get3A_85 = arith.constant 64 : index
    %get3A_86 = vector.load %arg7[%get3A_84, %get3A_85] : memref<7x128xf32, #tpu.memory_space<vmem>>, vector<1x64xf32>
    %get3A_87 = vector.shape_cast %get3A_86 : vector<1x64xf32> to vector<64xf32>
    %get3A_88 = arith.constant 4 : index
    %get3A_89 = arith.constant 0 : index
    %get3A_90 = vector.load %arg7[%get3A_88, %get3A_89] : memref<7x128xf32, #tpu.memory_space<vmem>>, vector<1x64xf32>
    %get3A_91 = vector.shape_cast %get3A_90 : vector<1x64xf32> to vector<64xf32>
    %iota3A_92 = tpu.iota {dimensions = array<i32: 0>} : vector<64x1xi32>
    %jit3A_93 = arith.constant 64 : i32
    %div3A_94 = vector.broadcast %jit3A_93 : i32 to vector<64x1xi32>
    %div3A_95 = arith.divsi %iota3A_92, %div3A_94 : vector<64x1xi32>
    %sign3A_96 = arith.constant 0 : i32
    %sign3A_97 = vector.broadcast %sign3A_96 : i32 to vector<64x1xi32>
    %sign3A_98 = arith.cmpi sgt, %iota3A_92, %sign3A_97 : vector<64x1xi32>
    %sign3A_99 = arith.extui %sign3A_98 : vector<64x1xi1> to vector<64x1xi32>
    %sign3A_100 = arith.constant 0 : i32
    %sign3A_101 = vector.broadcast %sign3A_100 : i32 to vector<64x1xi32>
    %sign3A_102 = arith.cmpi slt, %iota3A_92, %sign3A_101 : vector<64x1xi32>
    %sign3A_103 = arith.extui %sign3A_102 : vector<64x1xi1> to vector<64x1xi32>
    %sign3A_104 = arith.subi %sign3A_99, %sign3A_103 : vector<64x1xi32>
    %sign3A_105 = arith.constant 0 : i32
    %sign3A_106 = arith.cmpi sgt, %jit3A_93, %sign3A_105 : i32
    %sign3A_107 = arith.extui %sign3A_106 : i1 to i32
    %sign3A_108 = arith.constant 0 : i32
    %sign3A_109 = arith.cmpi slt, %jit3A_93, %sign3A_108 : i32
    %sign3A_110 = arith.extui %sign3A_109 : i1 to i32
    %sign3A_111 = arith.subi %sign3A_107, %sign3A_110 : i32
    %ne3A_112 = vector.broadcast %sign3A_111 : i32 to vector<64x1xi32>
    %ne3A_113 = arith.cmpi ne, %sign3A_104, %ne3A_112 : vector<64x1xi32>
    %rem3A_114 = vector.broadcast %jit3A_93 : i32 to vector<64x1xi32>
    %rem3A_115 = arith.remsi %iota3A_92, %rem3A_114 : vector<64x1xi32>
    %ne3A_116 = arith.constant 0 : i32
    %ne3A_117 = vector.broadcast %ne3A_116 : i32 to vector<64x1xi32>
    %ne3A_118 = arith.cmpi ne, %rem3A_115, %ne3A_117 : vector<64x1xi32>
    %and3A_119 = arith.andi %ne3A_113, %ne3A_118 : vector<64x1xi1>
    %sub3A_120 = arith.constant 1 : i32
    %sub3A_121 = vector.broadcast %sub3A_120 : i32 to vector<64x1xi32>
    %sub3A_122 = arith.subi %div3A_95, %sub3A_121 : vector<64x1xi32>
    %select_n3A_123 = arith.select %and3A_119, %sub3A_122, %div3A_95 : vector<64x1xi1>, vector<64x1xi32>
    %iota3A_124 = tpu.iota {dimensions = array<i32: 1>} : vector<64x1xi32>
    %eq3A_125 = arith.cmpi eq, %select_n3A_123, %iota3A_124 : vector<64x1xi32>
    %convert_element_type3A_126 = arith.extui %eq3A_125 : vector<64x1xi1> to vector<64x1xi32>
    %convert_element_type3A_127 = arith.sitofp %convert_element_type3A_126 : vector<64x1xi32> to vector<64x1xf32>
    %mul3A_128 = arith.constant 1.562500e-02 : f32
    %mul3A_129 = vector.broadcast %mul3A_128 : f32 to vector<64x1xf32>
    %mul3A_130 = arith.mulf %convert_element_type3A_127, %mul3A_129 : vector<64x1xf32>
    %mul3A_131 = arith.constant 6.400000e+01 : f32
    %mul3A_132 = vector.broadcast %mul3A_131 : f32 to vector<64x1xf32>
    %mul3A_133 = arith.mulf %mul3A_130, %mul3A_132 : vector<64x1xf32>
    %transpose3A_134 = tpu.transpose %mul3A_133, [1, 0] : vector<64x1xf32> -> vector<1x64xf32>
    %mul3A_135 = arith.mulf %add3A_83, %add3A_83 : vector<6400x64xf32>
    %dot_general3A_136 = arith.constant dense<0.000000e+00> : vector<6400x1xf32>
    %dot_general3A_137 = tpu.matmul %mul3A_135, %mul3A_130, %dot_general3A_136 {dimension_numbers = #tpu.dot_dimension_numbers<[1], [0], [0], [1], [0, 0, 1, 1], [], []>, transpose_lhs_hint = false} : vector<6400x64xf32>, vector<64x1xf32>, vector<6400x1xf32> -> vector<6400x1xf32>
    %add3A_138 = arith.constant 9.99999974E-6 : f32
    %add3A_139 = vector.broadcast %add3A_138 : f32 to vector<6400x1xf32>
    %add3A_140 = arith.addf %dot_general3A_137, %add3A_139 : vector<6400x1xf32>
    %rsqrt3A_141 = math.rsqrt %add3A_140 : vector<6400x1xf32>
    %dot_general3A_142 = arith.constant dense<0.000000e+00> : vector<6400x64xf32>
    %dot_general3A_143 = tpu.matmul %rsqrt3A_141, %transpose3A_134, %dot_general3A_142 {dimension_numbers = #tpu.dot_dimension_numbers<[1], [0], [0], [1], [0, 0, 1, 1], [], []>, transpose_lhs_hint = false} : vector<6400x1xf32>, vector<1x64xf32>, vector<6400x64xf32> -> vector<6400x64xf32>
    %mul3A_144 = arith.mulf %add3A_83, %dot_general3A_143 : vector<6400x64xf32>
    %broadcast_in_dim3A_145 = vector.shape_cast %get3A_87 : vector<64xf32> to vector<1x64xf32>
    %mul3A_146 = vector.broadcast %broadcast_in_dim3A_145 : vector<1x64xf32> to vector<6400x64xf32>
    %mul3A_147 = arith.mulf %mul3A_144, %mul3A_146 : vector<6400x64xf32>
    %broadcast_in_dim3A_148 = vector.shape_cast %get3A_91 : vector<64xf32> to vector<1x64xf32>
    %add3A_149 = vector.broadcast %broadcast_in_dim3A_148 : vector<1x64xf32> to vector<6400x64xf32>
    %add3A_150 = arith.addf %mul3A_147, %add3A_149 : vector<6400x64xf32>
    %max3A_151 = arith.constant 0.000000e+00 : f32
    %max3A_152 = vector.broadcast %max3A_151 : f32 to vector<6400x64xf32>
    %max3A_153 = arith.maximumf %add3A_150, %max3A_152 : vector<6400x64xf32>
    %get3A_154 = arith.constant 0 : index
    %get3A_155 = arith.constant 0 : index
    %get3A_156 = vector.load %arg5[%get3A_154, %get3A_155] : memref<64x64xf32, #tpu.memory_space<vmem>>, vector<64x64xf32>
    %dot_general3A_157 = arith.constant dense<0.000000e+00> : vector<6400x64xf32>
    %dot_general3A_158 = tpu.matmul %max3A_153, %get3A_156, %dot_general3A_157 {dimension_numbers = #tpu.dot_dimension_numbers<[1], [0], [0], [1], [0, 0, 1, 1], [], []>, transpose_lhs_hint = false} : vector<6400x64xf32>, vector<64x64xf32>, vector<6400x64xf32> -> vector<6400x64xf32>
    %get3A_159 = arith.constant 4 : index
    %get3A_160 = arith.constant 64 : index
    %get3A_161 = vector.load %arg7[%get3A_159, %get3A_160] : memref<7x128xf32, #tpu.memory_space<vmem>>, vector<1x64xf32>
    %get3A_162 = vector.shape_cast %get3A_161 : vector<1x64xf32> to vector<64xf32>
    %broadcast_in_dim3A_163 = vector.shape_cast %get3A_162 : vector<64xf32> to vector<1x64xf32>
    %add3A_164 = vector.broadcast %broadcast_in_dim3A_163 : vector<1x64xf32> to vector<6400x64xf32>
    %add3A_165 = arith.addf %dot_general3A_158, %add3A_164 : vector<6400x64xf32>
    %get3A_166 = arith.constant 5 : index
    %get3A_167 = arith.constant 0 : index
    %get3A_168 = vector.load %arg7[%get3A_166, %get3A_167] : memref<7x128xf32, #tpu.memory_space<vmem>>, vector<1x64xf32>
    %get3A_169 = vector.shape_cast %get3A_168 : vector<1x64xf32> to vector<64xf32>
    %get3A_170 = arith.constant 5 : index
    %get3A_171 = arith.constant 64 : index
    %get3A_172 = vector.load %arg7[%get3A_170, %get3A_171] : memref<7x128xf32, #tpu.memory_space<vmem>>, vector<1x64xf32>
    %get3A_173 = vector.shape_cast %get3A_172 : vector<1x64xf32> to vector<64xf32>
    %iota3A_174 = tpu.iota {dimensions = array<i32: 0>} : vector<64x1xi32>
    %jit3A_175 = arith.constant 64 : i32
    %div3A_176 = vector.broadcast %jit3A_175 : i32 to vector<64x1xi32>
    %div3A_177 = arith.divsi %iota3A_174, %div3A_176 : vector<64x1xi32>
    %sign3A_178 = arith.constant 0 : i32
    %sign3A_179 = vector.broadcast %sign3A_178 : i32 to vector<64x1xi32>
    %sign3A_180 = arith.cmpi sgt, %iota3A_174, %sign3A_179 : vector<64x1xi32>
    %sign3A_181 = arith.extui %sign3A_180 : vector<64x1xi1> to vector<64x1xi32>
    %sign3A_182 = arith.constant 0 : i32
    %sign3A_183 = vector.broadcast %sign3A_182 : i32 to vector<64x1xi32>
    %sign3A_184 = arith.cmpi slt, %iota3A_174, %sign3A_183 : vector<64x1xi32>
    %sign3A_185 = arith.extui %sign3A_184 : vector<64x1xi1> to vector<64x1xi32>
    %sign3A_186 = arith.subi %sign3A_181, %sign3A_185 : vector<64x1xi32>
    %sign3A_187 = arith.constant 0 : i32
    %sign3A_188 = arith.cmpi sgt, %jit3A_175, %sign3A_187 : i32
    %sign3A_189 = arith.extui %sign3A_188 : i1 to i32
    %sign3A_190 = arith.constant 0 : i32
    %sign3A_191 = arith.cmpi slt, %jit3A_175, %sign3A_190 : i32
    %sign3A_192 = arith.extui %sign3A_191 : i1 to i32
    %sign3A_193 = arith.subi %sign3A_189, %sign3A_192 : i32
    %ne3A_194 = vector.broadcast %sign3A_193 : i32 to vector<64x1xi32>
    %ne3A_195 = arith.cmpi ne, %sign3A_186, %ne3A_194 : vector<64x1xi32>
    %rem3A_196 = vector.broadcast %jit3A_175 : i32 to vector<64x1xi32>
    %rem3A_197 = arith.remsi %iota3A_174, %rem3A_196 : vector<64x1xi32>
    %ne3A_198 = arith.constant 0 : i32
    %ne3A_199 = vector.broadcast %ne3A_198 : i32 to vector<64x1xi32>
    %ne3A_200 = arith.cmpi ne, %rem3A_197, %ne3A_199 : vector<64x1xi32>
    %and3A_201 = arith.andi %ne3A_195, %ne3A_200 : vector<64x1xi1>
    %sub3A_202 = arith.constant 1 : i32
    %sub3A_203 = vector.broadcast %sub3A_202 : i32 to vector<64x1xi32>
    %sub3A_204 = arith.subi %div3A_177, %sub3A_203 : vector<64x1xi32>
    %select_n3A_205 = arith.select %and3A_201, %sub3A_204, %div3A_177 : vector<64x1xi1>, vector<64x1xi32>
    %iota3A_206 = tpu.iota {dimensions = array<i32: 1>} : vector<64x1xi32>
    %eq3A_207 = arith.cmpi eq, %select_n3A_205, %iota3A_206 : vector<64x1xi32>
    %convert_element_type3A_208 = arith.extui %eq3A_207 : vector<64x1xi1> to vector<64x1xi32>
    %convert_element_type3A_209 = arith.sitofp %convert_element_type3A_208 : vector<64x1xi32> to vector<64x1xf32>
    %mul3A_210 = arith.constant 1.562500e-02 : f32
    %mul3A_211 = vector.broadcast %mul3A_210 : f32 to vector<64x1xf32>
    %mul3A_212 = arith.mulf %convert_element_type3A_209, %mul3A_211 : vector<64x1xf32>
    %mul3A_213 = arith.constant 6.400000e+01 : f32
    %mul3A_214 = vector.broadcast %mul3A_213 : f32 to vector<64x1xf32>
    %mul3A_215 = arith.mulf %mul3A_212, %mul3A_214 : vector<64x1xf32>
    %transpose3A_216 = tpu.transpose %mul3A_215, [1, 0] : vector<64x1xf32> -> vector<1x64xf32>
    %mul3A_217 = arith.mulf %add3A_165, %add3A_165 : vector<6400x64xf32>
    %dot_general3A_218 = arith.constant dense<0.000000e+00> : vector<6400x1xf32>
    %dot_general3A_219 = tpu.matmul %mul3A_217, %mul3A_212, %dot_general3A_218 {dimension_numbers = #tpu.dot_dimension_numbers<[1], [0], [0], [1], [0, 0, 1, 1], [], []>, transpose_lhs_hint = false} : vector<6400x64xf32>, vector<64x1xf32>, vector<6400x1xf32> -> vector<6400x1xf32>
    %add3A_220 = arith.constant 9.99999974E-6 : f32
    %add3A_221 = vector.broadcast %add3A_220 : f32 to vector<6400x1xf32>
    %add3A_222 = arith.addf %dot_general3A_219, %add3A_221 : vector<6400x1xf32>
    %rsqrt3A_223 = math.rsqrt %add3A_222 : vector<6400x1xf32>
    %dot_general3A_224 = arith.constant dense<0.000000e+00> : vector<6400x64xf32>
    %dot_general3A_225 = tpu.matmul %rsqrt3A_223, %transpose3A_216, %dot_general3A_224 {dimension_numbers = #tpu.dot_dimension_numbers<[1], [0], [0], [1], [0, 0, 1, 1], [], []>, transpose_lhs_hint = false} : vector<6400x1xf32>, vector<1x64xf32>, vector<6400x64xf32> -> vector<6400x64xf32>
    %mul3A_226 = arith.mulf %add3A_165, %dot_general3A_225 : vector<6400x64xf32>
    %broadcast_in_dim3A_227 = vector.shape_cast %get3A_169 : vector<64xf32> to vector<1x64xf32>
    %mul3A_228 = vector.broadcast %broadcast_in_dim3A_227 : vector<1x64xf32> to vector<6400x64xf32>
    %mul3A_229 = arith.mulf %mul3A_226, %mul3A_228 : vector<6400x64xf32>
    %broadcast_in_dim3A_230 = vector.shape_cast %get3A_173 : vector<64xf32> to vector<1x64xf32>
    %add3A_231 = vector.broadcast %broadcast_in_dim3A_230 : vector<1x64xf32> to vector<6400x64xf32>
    %add3A_232 = arith.addf %mul3A_229, %add3A_231 : vector<6400x64xf32>
    %get3A_233 = arith.constant 0 : index
    %get3A_234 = arith.constant 0 : index
    %get3A_235 = vector.load %arg6[%get3A_233, %get3A_234] : memref<64x128xf32, #tpu.memory_space<vmem>>, vector<64x128xf32>
    %dot_general3A_236 = arith.constant dense<0.000000e+00> : vector<6400x128xf32>
    %dot_general3A_237 = tpu.matmul %add3A_232, %get3A_235, %dot_general3A_236 {dimension_numbers = #tpu.dot_dimension_numbers<[1], [0], [0], [1], [0, 0, 1, 1], [], []>, transpose_lhs_hint = false} : vector<6400x64xf32>, vector<64x128xf32>, vector<6400x128xf32> -> vector<6400x128xf32>
    %get3A_238 = arith.constant 6 : index
    %get3A_239 = arith.constant 0 : index
    %get3A_240 = vector.load %arg7[%get3A_238, %get3A_239] : memref<7x128xf32, #tpu.memory_space<vmem>>, vector<1x128xf32>
    %get3A_241 = vector.shape_cast %get3A_240 : vector<1x128xf32> to vector<128xf32>
    %broadcast_in_dim3A_242 = vector.shape_cast %get3A_241 : vector<128xf32> to vector<1x128xf32>
    %add3A_243 = vector.broadcast %broadcast_in_dim3A_242 : vector<1x128xf32> to vector<6400x128xf32>
    %add3A_244 = arith.addf %dot_general3A_237, %add3A_243 : vector<6400x128xf32>
    %slice3A_245 = vector.extract_strided_slice %add3A_244 {offsets = [0, 0], sizes = [6400, 64], strides = [1, 1]} : vector<6400x128xf32> to vector<6400x64xf32>
    %slice3A_246 = vector.extract_strided_slice %add3A_244 {offsets = [0, 64], sizes = [6400, 64], strides = [1, 1]} : vector<6400x128xf32> to vector<6400x64xf32>
    %iota3A_247 = tpu.iota {dimensions = array<i32: 0>} : vector<64x8xi32>
    %jit3A_248 = arith.constant 8 : i32
    %div3A_249 = vector.broadcast %jit3A_248 : i32 to vector<64x8xi32>
    %div3A_250 = arith.divsi %iota3A_247, %div3A_249 : vector<64x8xi32>
    %sign3A_251 = arith.constant 0 : i32
    %sign3A_252 = vector.broadcast %sign3A_251 : i32 to vector<64x8xi32>
    %sign3A_253 = arith.cmpi sgt, %iota3A_247, %sign3A_252 : vector<64x8xi32>
    %sign3A_254 = arith.extui %sign3A_253 : vector<64x8xi1> to vector<64x8xi32>
    %sign3A_255 = arith.constant 0 : i32
    %sign3A_256 = vector.broadcast %sign3A_255 : i32 to vector<64x8xi32>
    %sign3A_257 = arith.cmpi slt, %iota3A_247, %sign3A_256 : vector<64x8xi32>
    %sign3A_258 = arith.extui %sign3A_257 : vector<64x8xi1> to vector<64x8xi32>
    %sign3A_259 = arith.subi %sign3A_254, %sign3A_258 : vector<64x8xi32>
    %sign3A_260 = arith.constant 0 : i32
    %sign3A_261 = arith.cmpi sgt, %jit3A_248, %sign3A_260 : i32
    %sign3A_262 = arith.extui %sign3A_261 : i1 to i32
    %sign3A_263 = arith.constant 0 : i32
    %sign3A_264 = arith.cmpi slt, %jit3A_248, %sign3A_263 : i32
    %sign3A_265 = arith.extui %sign3A_264 : i1 to i32
    %sign3A_266 = arith.subi %sign3A_262, %sign3A_265 : i32
    %ne3A_267 = vector.broadcast %sign3A_266 : i32 to vector<64x8xi32>
    %ne3A_268 = arith.cmpi ne, %sign3A_259, %ne3A_267 : vector<64x8xi32>
    %rem3A_269 = vector.broadcast %jit3A_248 : i32 to vector<64x8xi32>
    %rem3A_270 = arith.remsi %iota3A_247, %rem3A_269 : vector<64x8xi32>
    %ne3A_271 = arith.constant 0 : i32
    %ne3A_272 = vector.broadcast %ne3A_271 : i32 to vector<64x8xi32>
    %ne3A_273 = arith.cmpi ne, %rem3A_270, %ne3A_272 : vector<64x8xi32>
    %and3A_274 = arith.andi %ne3A_268, %ne3A_273 : vector<64x8xi1>
    %sub3A_275 = arith.constant 1 : i32
    %sub3A_276 = vector.broadcast %sub3A_275 : i32 to vector<64x8xi32>
    %sub3A_277 = arith.subi %div3A_250, %sub3A_276 : vector<64x8xi32>
    %select_n3A_278 = arith.select %and3A_274, %sub3A_277, %div3A_250 : vector<64x8xi1>, vector<64x8xi32>
    %iota3A_279 = tpu.iota {dimensions = array<i32: 1>} : vector<64x8xi32>
    %eq3A_280 = arith.cmpi eq, %select_n3A_278, %iota3A_279 : vector<64x8xi32>
    %convert_element_type3A_281 = arith.extui %eq3A_280 : vector<64x8xi1> to vector<64x8xi32>
    %convert_element_type3A_282 = arith.sitofp %convert_element_type3A_281 : vector<64x8xi32> to vector<64x8xf32>
    %mul3A_283 = arith.mulf %slice3A, %slice3A_245 : vector<6400x64xf32>
    %dot_general3A_284 = arith.constant dense<0.000000e+00> : vector<6400x8xf32>
    %dot_general3A_285 = tpu.matmul %mul3A_283, %convert_element_type3A_282, %dot_general3A_284 {dimension_numbers = #tpu.dot_dimension_numbers<[1], [0], [0], [1], [0, 0, 1, 1], [], []>, transpose_lhs_hint = false} : vector<6400x64xf32>, vector<64x8xf32>, vector<6400x8xf32> -> vector<6400x8xf32>
    %mul3A_286 = arith.constant 0.353553385 : f32
    %mul3A_287 = vector.broadcast %mul3A_286 : f32 to vector<6400x8xf32>
    %mul3A_288 = arith.mulf %dot_general3A_285, %mul3A_287 : vector<6400x8xf32>
    %exp3A = math.exp %mul3A_288 : vector<6400x8xf32>
    %transpose3A_289 = tpu.transpose %convert_element_type3A_282, [1, 0] : vector<64x8xf32> -> vector<8x64xf32>
    %dot_general3A_290 = arith.constant dense<0.000000e+00> : vector<6400x64xf32>
    %dot_general3A_291 = tpu.matmul %exp3A, %transpose3A_289, %dot_general3A_290 {dimension_numbers = #tpu.dot_dimension_numbers<[1], [0], [0], [1], [0, 0, 1, 1], [], []>, transpose_lhs_hint = false} : vector<6400x8xf32>, vector<8x64xf32>, vector<6400x64xf32> -> vector<6400x64xf32>
    %mul3A_292 = arith.mulf %slice3A_246, %dot_general3A_291 : vector<6400x64xf32>
    %slice3A_293 = vector.extract_strided_slice %mul3A_292 {offsets = [0, 0], sizes = [3200, 64], strides = [1, 1]} : vector<6400x64xf32> to vector<3200x64xf32>
    %slice3A_294 = vector.extract_strided_slice %mul3A_292 {offsets = [3200, 0], sizes = [3200, 64], strides = [1, 1]} : vector<6400x64xf32> to vector<3200x64xf32>
    %concatenate3A_295 = tpu.concatenate %slice3A_293, %slice3A_294 in 1 : vector<3200x64xf32>, vector<3200x64xf32> -> vector<3200x128xf32>
    %swap3A = arith.constant 0 : index
    %swap3A_296 = arith.constant 0 : index
    %swap3A_297 = vector.load %arg8[%swap3A, %swap3A_296] : memref<3200x128xf32, #tpu.memory_space<vmem>>, vector<3200x128xf32>
    tpu.vector_store %arg8[%swap3A, %swap3A_296], %concatenate3A_295 {strides = array<i32>} : memref<3200x128xf32, #tpu.memory_space<vmem>>, vector<3200x128xf32>,
    %broadcast_in_dim3A_298 = arith.constant 0.000000e+00 : f32
    %broadcast_in_dim3A_299 = vector.broadcast %broadcast_in_dim3A_298 : f32 to vector<6400x8xf32>
    %concatenate3A_300 = tpu.concatenate %exp3A, %broadcast_in_dim3A_299 in 1 : vector<6400x8xf32>, vector<6400x8xf32> -> vector<6400x16xf32>
    %slice3A_301 = vector.extract_strided_slice %concatenate3A_300 {offsets = [0, 0], sizes = [800, 16], strides = [1, 1]} : vector<6400x16xf32> to vector<800x16xf32>
    %slice3A_302 = vector.extract_strided_slice %concatenate3A_300 {offsets = [800, 0], sizes = [800, 16], strides = [1, 1]} : vector<6400x16xf32> to vector<800x16xf32>
    %slice3A_303 = vector.extract_strided_slice %concatenate3A_300 {offsets = [1600, 0], sizes = [800, 16], strides = [1, 1]} : vector<6400x16xf32> to vector<800x16xf32>
    %slice3A_304 = vector.extract_strided_slice %concatenate3A_300 {offsets = [2400, 0], sizes = [800, 16], strides = [1, 1]} : vector<6400x16xf32> to vector<800x16xf32>
    %slice3A_305 = vector.extract_strided_slice %concatenate3A_300 {offsets = [3200, 0], sizes = [800, 16], strides = [1, 1]} : vector<6400x16xf32> to vector<800x16xf32>
    %slice3A_306 = vector.extract_strided_slice %concatenate3A_300 {offsets = [4000, 0], sizes = [800, 16], strides = [1, 1]} : vector<6400x16xf32> to vector<800x16xf32>
    %slice3A_307 = vector.extract_strided_slice %concatenate3A_300 {offsets = [4800, 0], sizes = [800, 16], strides = [1, 1]} : vector<6400x16xf32> to vector<800x16xf32>
    %slice3A_308 = vector.extract_strided_slice %concatenate3A_300 {offsets = [5600, 0], sizes = [800, 16], strides = [1, 1]} : vector<6400x16xf32> to vector<800x16xf32>
    %concatenate3A_309 = tpu.concatenate %slice3A_301, %slice3A_302, %slice3A_303, %slice3A_304, %slice3A_305, %slice3A_306, %slice3A_307, %slice3A_308 in 1 : vector<800x16xf32>, vector<800x16xf32>, vector<800x16xf32>, vector<800x16xf32>, vector<800x16xf32>, vector<800x16xf32>, vector<800x16xf32>, vector<800x16xf32> -> vector<800x128xf32>
    %swap3A_310 = arith.constant 0 : index
    %swap3A_311 = arith.constant 0 : index
    %swap3A_312 = vector.load %arg9[%swap3A_310, %swap3A_311] : memref<800x128xf32, #tpu.memory_space<vmem>>, vector<800x128xf32>
    tpu.vector_store %arg9[%swap3A_310, %swap3A_311], %concatenate3A_309 {strides = array<i32>} : memref<800x128xf32, #tpu.memory_space<vmem>>, vector<800x128xf32>,
    return
  }
  func.func @transform_0(%arg0: i32) -> (i32, i32) {
    %c0_i32 = arith.constant 0 : i32
    %c0_i32_0 = arith.constant 0 : i32
    return %arg0, %c0_i32 : i32, i32
  }
  func.func @transform_1(%arg0: i32) -> (i32, i32) {
    %c0_i32 = arith.constant 0 : i32
    %c0_i32_0 = arith.constant 0 : i32
    return %arg0, %c0_i32 : i32, i32
  }
  func.func @transform_2(%arg0: i32) -> (i32, i32) {
    %c0_i32 = arith.constant 0 : i32
    %c0_i32_0 = arith.constant 0 : i32
    %c0_i32_1 = arith.constant 0 : i32
    return %c0_i32, %c0_i32_0 : i32, i32
  }
  func.func @transform_3(%arg0: i32) -> (i32, i32) {
    %c0_i32 = arith.constant 0 : i32
    %c0_i32_0 = arith.constant 0 : i32
    %c0_i32_1 = arith.constant 0 : i32
    return %c0_i32, %c0_i32_0 : i32, i32
  }
  func.func @transform_4(%arg0: i32) -> (i32, i32) {
    %c0_i32 = arith.constant 0 : i32
    %c0_i32_0 = arith.constant 0 : i32
    %c0_i32_1 = arith.constant 0 : i32
    return %c0_i32, %c0_i32_0 : i32, i32
  }
  func.func @transform_5(%arg0: i32) -> (i32, i32) {
    %c0_i32 = arith.constant 0 : i32
    %c0_i32_0 = arith.constant 0 : i32
    %c0_i32_1 = arith.constant 0 : i32
    return %c0_i32, %c0_i32_0 : i32, i32
  }
  func.func @transform_6(%arg0: i32) -> (i32, i32) {
    %c0_i32 = arith.constant 0 : i32
    %c0_i32_0 = arith.constant 0 : i32
    %c0_i32_1 = arith.constant 0 : i32
    return %c0_i32, %c0_i32_0 : i32, i32
  }
  func.func @transform_7(%arg0: i32) -> (i32, i32) {
    %c0_i32 = arith.constant 0 : i32
    %c0_i32_0 = arith.constant 0 : i32
    return %arg0, %c0_i32 : i32, i32
  }
  func.func @transform_8(%arg0: i32) -> (i32, i32) {
    %c0_i32 = arith.constant 0 : i32
    %c0_i32_0 = arith.constant 0 : i32
    return %arg0, %c0_i32 : i32, i32
  }
}

module attributes {stable_mosaic.version = 14 : i64} {
  func.func @_p5_body(%arg0: i32, %arg1: memref<1x2000x128xf32, #tpu.memory_space<vmem>>, %arg2: memref<1x2000x128xf32, #tpu.memory_space<vmem>>, %arg3: memref<1x2000x128xf32, #tpu.memory_space<vmem>>, %arg4: memref<1x2000x128xf32, #tpu.memory_space<vmem>>, %arg5: memref<2000x64xf32, #tpu.memory_space<vmem>>, %arg6: memref<2000x64xf32, #tpu.memory_space<vmem>>, %arg7: memref<128x128xf32, #tpu.memory_space<vmem>>, %arg8: memref<64x64xf32, #tpu.memory_space<vmem>>, %arg9: memref<64x256xf32, #tpu.memory_space<vmem>>, %arg10: memref<256x64xf32, #tpu.memory_space<vmem>>, %arg11: memref<3x256xf32, #tpu.memory_space<vmem>>, %arg12: memref<2000x64xf32, #tpu.memory_space<vmem>>) attributes {dimension_semantics = [#tpu.dimension_semantics<arbitrary>], iteration_bounds = array<i64: 25>, scalar_prefetch = 0 : i64, scratch_operands = 0 : i64, tpu.core_type = #tpu.core_type<tc>, window_params = [{transform_indices = @transform_0, window_bounds = array<i64: 1, 2000, 128>}, {transform_indices = @transform_1, window_bounds = array<i64: 1, 2000, 128>}, {transform_indices = @transform_2, window_bounds = array<i64: 1, 2000, 128>}, {transform_indices = @transform_3, window_bounds = array<i64: 1, 2000, 128>}, {transform_indices = @transform_4, window_bounds = array<i64: 2000, 64>}, {transform_indices = @transform_5, window_bounds = array<i64: 2000, 64>}, {pipeline_mode = #tpu.pipeline_mode<synchronous>, transform_indices = @transform_6, window_bounds = array<i64: 128, 128>}, {pipeline_mode = #tpu.pipeline_mode<synchronous>, transform_indices = @transform_7, window_bounds = array<i64: 64, 64>}, {pipeline_mode = #tpu.pipeline_mode<synchronous>, transform_indices = @transform_8, window_bounds = array<i64: 64, 256>}, {pipeline_mode = #tpu.pipeline_mode<synchronous>, transform_indices = @transform_9, window_bounds = array<i64: 256, 64>}, {pipeline_mode = #tpu.pipeline_mode<synchronous>, transform_indices = @transform_10, window_bounds = array<i64: 3, 256>}, {transform_indices = @transform_11, window_bounds = array<i64: 2000, 64>}]} {
    %get3A = arith.constant 0 : index
    %get3A_0 = arith.constant 0 : index
    %get3A_1 = arith.constant 0 : index
    %get3A_2 = vector.load %arg3[%get3A, %get3A_0, %get3A_1] : memref<1x2000x128xf32, #tpu.memory_space<vmem>>, vector<1x2000x128xf32>
    %get3A_3 = vector.shape_cast %get3A_2 : vector<1x2000x128xf32> to vector<2000x128xf32>
    %slice3A = vector.extract_strided_slice %get3A_3 {offsets = [0, 0], sizes = [2000, 8], strides = [1, 1]} : vector<2000x128xf32> to vector<2000x8xf32>
    %get3A_4 = arith.constant 0 : index
    %get3A_5 = arith.constant 0 : index
    %get3A_6 = arith.constant 0 : index
    %get3A_7 = vector.load %arg4[%get3A_4, %get3A_5, %get3A_6] : memref<1x2000x128xf32, #tpu.memory_space<vmem>>, vector<1x2000x128xf32>
    %get3A_8 = vector.shape_cast %get3A_7 : vector<1x2000x128xf32> to vector<2000x128xf32>
    %slice3A_9 = vector.extract_strided_slice %get3A_8 {offsets = [0, 0], sizes = [2000, 8], strides = [1, 1]} : vector<2000x128xf32> to vector<2000x8xf32>
    %add3A = arith.addf %slice3A, %slice3A_9 : vector<2000x8xf32>
    %get3A_10 = arith.constant 0 : index
    %get3A_11 = arith.constant 0 : index
    %get3A_12 = arith.constant 0 : index
    %get3A_13 = vector.load %arg1[%get3A_10, %get3A_11, %get3A_12] : memref<1x2000x128xf32, #tpu.memory_space<vmem>>, vector<1x2000x128xf32>
    %get3A_14 = vector.shape_cast %get3A_13 : vector<1x2000x128xf32> to vector<2000x128xf32>
    %slice3A_15 = vector.extract_strided_slice %get3A_14 {offsets = [0, 0], sizes = [2000, 32], strides = [1, 1]} : vector<2000x128xf32> to vector<2000x32xf32>
    %get3A_16 = arith.constant 0 : index
    %get3A_17 = arith.constant 0 : index
    %get3A_18 = arith.constant 0 : index
    %get3A_19 = vector.load %arg2[%get3A_16, %get3A_17, %get3A_18] : memref<1x2000x128xf32, #tpu.memory_space<vmem>>, vector<1x2000x128xf32>
    %get3A_20 = vector.shape_cast %get3A_19 : vector<1x2000x128xf32> to vector<2000x128xf32>
    %slice3A_21 = vector.extract_strided_slice %get3A_20 {offsets = [0, 0], sizes = [2000, 32], strides = [1, 1]} : vector<2000x128xf32> to vector<2000x32xf32>
    %concatenate3A = tpu.concatenate %slice3A_15, %slice3A_21 in 1 : vector<2000x32xf32>, vector<2000x32xf32> -> vector<2000x64xf32>
    %iota3A = tpu.iota {dimensions = array<i32: 0>} : vector<64x8xi32>
    %jit3A = arith.constant 8 : i32
    %div3A = vector.broadcast %jit3A : i32 to vector<64x8xi32>
    %div3A_22 = arith.divsi %iota3A, %div3A : vector<64x8xi32>
    %sign3A = arith.constant 0 : i32
    %sign3A_23 = vector.broadcast %sign3A : i32 to vector<64x8xi32>
    %sign3A_24 = arith.cmpi sgt, %iota3A, %sign3A_23 : vector<64x8xi32>
    %sign3A_25 = arith.extui %sign3A_24 : vector<64x8xi1> to vector<64x8xi32>
    %sign3A_26 = arith.constant 0 : i32
    %sign3A_27 = vector.broadcast %sign3A_26 : i32 to vector<64x8xi32>
    %sign3A_28 = arith.cmpi slt, %iota3A, %sign3A_27 : vector<64x8xi32>
    %sign3A_29 = arith.extui %sign3A_28 : vector<64x8xi1> to vector<64x8xi32>
    %sign3A_30 = arith.subi %sign3A_25, %sign3A_29 : vector<64x8xi32>
    %sign3A_31 = arith.constant 0 : i32
    %sign3A_32 = arith.cmpi sgt, %jit3A, %sign3A_31 : i32
    %sign3A_33 = arith.extui %sign3A_32 : i1 to i32
    %sign3A_34 = arith.constant 0 : i32
    %sign3A_35 = arith.cmpi slt, %jit3A, %sign3A_34 : i32
    %sign3A_36 = arith.extui %sign3A_35 : i1 to i32
    %sign3A_37 = arith.subi %sign3A_33, %sign3A_36 : i32
    %ne3A = vector.broadcast %sign3A_37 : i32 to vector<64x8xi32>
    %ne3A_38 = arith.cmpi ne, %sign3A_30, %ne3A : vector<64x8xi32>
    %rem3A = vector.broadcast %jit3A : i32 to vector<64x8xi32>
    %rem3A_39 = arith.remsi %iota3A, %rem3A : vector<64x8xi32>
    %ne3A_40 = arith.constant 0 : i32
    %ne3A_41 = vector.broadcast %ne3A_40 : i32 to vector<64x8xi32>
    %ne3A_42 = arith.cmpi ne, %rem3A_39, %ne3A_41 : vector<64x8xi32>
    %and3A = arith.andi %ne3A_38, %ne3A_42 : vector<64x8xi1>
    %sub3A = arith.constant 1 : i32
    %sub3A_43 = vector.broadcast %sub3A : i32 to vector<64x8xi32>
    %sub3A_44 = arith.subi %div3A_22, %sub3A_43 : vector<64x8xi32>
    %select_n3A = arith.select %and3A, %sub3A_44, %div3A_22 : vector<64x8xi1>, vector<64x8xi32>
    %iota3A_45 = tpu.iota {dimensions = array<i32: 1>} : vector<64x8xi32>
    %eq3A = arith.cmpi eq, %select_n3A, %iota3A_45 : vector<64x8xi32>
    %convert_element_type3A = arith.extui %eq3A : vector<64x8xi1> to vector<64x8xi32>
    %convert_element_type3A_46 = arith.sitofp %convert_element_type3A : vector<64x8xi32> to vector<64x8xf32>
    %add3A_47 = arith.constant 1.000000e-16 : f32
    %add3A_48 = vector.broadcast %add3A_47 : f32 to vector<2000x8xf32>
    %add3A_49 = arith.addf %add3A, %add3A_48 : vector<2000x8xf32>
    %div3A_50 = arith.constant 1.000000e+00 : f32
    %div3A_51 = vector.broadcast %div3A_50 : f32 to vector<2000x8xf32>
    %div3A_52 = arith.divf %div3A_51, %add3A_49 : vector<2000x8xf32>
    %transpose3A = tpu.transpose %convert_element_type3A_46, [1, 0] : vector<64x8xf32> -> vector<8x64xf32>
    %dot_general3A = arith.constant dense<0.000000e+00> : vector<2000x64xf32>
    %dot_general3A_53 = tpu.matmul %div3A_52, %transpose3A, %dot_general3A {dimension_numbers = #tpu.dot_dimension_numbers<[1], [0], [0], [1], [0, 0, 1, 1], [], []>, transpose_lhs_hint = false} : vector<2000x8xf32>, vector<8x64xf32>, vector<2000x64xf32> -> vector<2000x64xf32>
    %mul3A = arith.mulf %concatenate3A, %dot_general3A_53 : vector<2000x64xf32>
    %get3A_54 = arith.constant 0 : index
    %get3A_55 = arith.constant 0 : index
    %get3A_56 = vector.load %arg5[%get3A_54, %get3A_55] : memref<2000x64xf32, #tpu.memory_space<vmem>>, vector<2000x64xf32>
    %concatenate3A_57 = tpu.concatenate %mul3A, %get3A_56 in 1 : vector<2000x64xf32>, vector<2000x64xf32> -> vector<2000x128xf32>
    %get3A_58 = arith.constant 0 : index
    %get3A_59 = arith.constant 0 : index
    %get3A_60 = vector.load %arg7[%get3A_58, %get3A_59] : memref<128x128xf32, #tpu.memory_space<vmem>>, vector<128x128xf32>
    %dot_general3A_61 = arith.constant dense<0.000000e+00> : vector<2000x128xf32>
    %dot_general3A_62 = tpu.matmul %concatenate3A_57, %get3A_60, %dot_general3A_61 {dimension_numbers = #tpu.dot_dimension_numbers<[1], [0], [0], [1], [0, 0, 1, 1], [], []>, transpose_lhs_hint = false} : vector<2000x128xf32>, vector<128x128xf32>, vector<2000x128xf32> -> vector<2000x128xf32>
    %get3A_63 = arith.constant 0 : index
    %get3A_64 = arith.constant 0 : index
    %get3A_65 = vector.load %arg11[%get3A_63, %get3A_64] : memref<3x256xf32, #tpu.memory_space<vmem>>, vector<1x128xf32>
    %get3A_66 = vector.shape_cast %get3A_65 : vector<1x128xf32> to vector<128xf32>
    %broadcast_in_dim3A = vector.shape_cast %get3A_66 : vector<128xf32> to vector<1x128xf32>
    %add3A_67 = vector.broadcast %broadcast_in_dim3A : vector<1x128xf32> to vector<2000x128xf32>
    %add3A_68 = arith.addf %dot_general3A_62, %add3A_67 : vector<2000x128xf32>
    %slice3A_69 = vector.extract_strided_slice %add3A_68 {offsets = [0, 0], sizes = [2000, 64], strides = [1, 1]} : vector<2000x128xf32> to vector<2000x64xf32>
    %logistic3A = arith.negf %slice3A_69 : vector<2000x64xf32>
    %logistic3A_70 = math.exp %logistic3A : vector<2000x64xf32>
    %logistic3A_71 = arith.constant 1.000000e+00 : f32
    %logistic3A_72 = vector.broadcast %logistic3A_71 : f32 to vector<2000x64xf32>
    %logistic3A_73 = arith.addf %logistic3A_72, %logistic3A_70 : vector<2000x64xf32>
    %logistic3A_74 = arith.divf %logistic3A_72, %logistic3A_73 : vector<2000x64xf32>
    %slice3A_75 = vector.extract_strided_slice %add3A_68 {offsets = [0, 64], sizes = [2000, 64], strides = [1, 1]} : vector<2000x128xf32> to vector<2000x64xf32>
    %sub3A_76 = arith.subf %slice3A_75, %mul3A : vector<2000x64xf32>
    %mul3A_77 = arith.mulf %logistic3A_74, %sub3A_76 : vector<2000x64xf32>
    %add3A_78 = arith.addf %mul3A, %mul3A_77 : vector<2000x64xf32>
    %get3A_79 = arith.constant 0 : index
    %get3A_80 = arith.constant 0 : index
    %get3A_81 = vector.load %arg6[%get3A_79, %get3A_80] : memref<2000x64xf32, #tpu.memory_space<vmem>>, vector<2000x64xf32>
    %get3A_82 = arith.constant 0 : index
    %get3A_83 = arith.constant 0 : index
    %get3A_84 = vector.load %arg8[%get3A_82, %get3A_83] : memref<64x64xf32, #tpu.memory_space<vmem>>, vector<64x64xf32>
    %dot_general3A_85 = arith.constant dense<0.000000e+00> : vector<2000x64xf32>
    %dot_general3A_86 = tpu.matmul %add3A_78, %get3A_84, %dot_general3A_85 {dimension_numbers = #tpu.dot_dimension_numbers<[1], [0], [0], [1], [0, 0, 1, 1], [], []>, transpose_lhs_hint = false} : vector<2000x64xf32>, vector<64x64xf32>, vector<2000x64xf32> -> vector<2000x64xf32>
    %add3A_87 = arith.addf %get3A_81, %dot_general3A_86 : vector<2000x64xf32>
    %get3A_88 = arith.constant 1 : index
    %get3A_89 = arith.constant 0 : index
    %get3A_90 = vector.load %arg11[%get3A_88, %get3A_89] : memref<3x256xf32, #tpu.memory_space<vmem>>, vector<1x64xf32>
    %get3A_91 = vector.shape_cast %get3A_90 : vector<1x64xf32> to vector<64xf32>
    %broadcast_in_dim3A_92 = vector.shape_cast %get3A_91 : vector<64xf32> to vector<1x64xf32>
    %add3A_93 = vector.broadcast %broadcast_in_dim3A_92 : vector<1x64xf32> to vector<2000x64xf32>
    %add3A_94 = arith.addf %add3A_87, %add3A_93 : vector<2000x64xf32>
    %iota3A_95 = tpu.iota {dimensions = array<i32: 0>} : vector<64x64xi32>
    %jit3A_96 = arith.constant 64 : i32
    %div3A_97 = vector.broadcast %jit3A_96 : i32 to vector<64x64xi32>
    %div3A_98 = arith.divsi %iota3A_95, %div3A_97 : vector<64x64xi32>
    %sign3A_99 = arith.constant 0 : i32
    %sign3A_100 = vector.broadcast %sign3A_99 : i32 to vector<64x64xi32>
    %sign3A_101 = arith.cmpi sgt, %iota3A_95, %sign3A_100 : vector<64x64xi32>
    %sign3A_102 = arith.extui %sign3A_101 : vector<64x64xi1> to vector<64x64xi32>
    %sign3A_103 = arith.constant 0 : i32
    %sign3A_104 = vector.broadcast %sign3A_103 : i32 to vector<64x64xi32>
    %sign3A_105 = arith.cmpi slt, %iota3A_95, %sign3A_104 : vector<64x64xi32>
    %sign3A_106 = arith.extui %sign3A_105 : vector<64x64xi1> to vector<64x64xi32>
    %sign3A_107 = arith.subi %sign3A_102, %sign3A_106 : vector<64x64xi32>
    %sign3A_108 = arith.constant 0 : i32
    %sign3A_109 = arith.cmpi sgt, %jit3A_96, %sign3A_108 : i32
    %sign3A_110 = arith.extui %sign3A_109 : i1 to i32
    %sign3A_111 = arith.constant 0 : i32
    %sign3A_112 = arith.cmpi slt, %jit3A_96, %sign3A_111 : i32
    %sign3A_113 = arith.extui %sign3A_112 : i1 to i32
    %sign3A_114 = arith.subi %sign3A_110, %sign3A_113 : i32
    %ne3A_115 = vector.broadcast %sign3A_114 : i32 to vector<64x64xi32>
    %ne3A_116 = arith.cmpi ne, %sign3A_107, %ne3A_115 : vector<64x64xi32>
    %rem3A_117 = vector.broadcast %jit3A_96 : i32 to vector<64x64xi32>
    %rem3A_118 = arith.remsi %iota3A_95, %rem3A_117 : vector<64x64xi32>
    %ne3A_119 = arith.constant 0 : i32
    %ne3A_120 = vector.broadcast %ne3A_119 : i32 to vector<64x64xi32>
    %ne3A_121 = arith.cmpi ne, %rem3A_118, %ne3A_120 : vector<64x64xi32>
    %and3A_122 = arith.andi %ne3A_116, %ne3A_121 : vector<64x64xi1>
    %sub3A_123 = arith.constant 1 : i32
    %sub3A_124 = vector.broadcast %sub3A_123 : i32 to vector<64x64xi32>
    %sub3A_125 = arith.subi %div3A_98, %sub3A_124 : vector<64x64xi32>
    %select_n3A_126 = arith.select %and3A_122, %sub3A_125, %div3A_98 : vector<64x64xi1>, vector<64x64xi32>
    %iota3A_127 = tpu.iota {dimensions = array<i32: 1>} : vector<64x64xi32>
    %jit3A_128 = arith.constant 64 : i32
    %div3A_129 = vector.broadcast %jit3A_128 : i32 to vector<64x64xi32>
    %div3A_130 = arith.divsi %iota3A_127, %div3A_129 : vector<64x64xi32>
    %sign3A_131 = arith.constant 0 : i32
    %sign3A_132 = vector.broadcast %sign3A_131 : i32 to vector<64x64xi32>
    %sign3A_133 = arith.cmpi sgt, %iota3A_127, %sign3A_132 : vector<64x64xi32>
    %sign3A_134 = arith.extui %sign3A_133 : vector<64x64xi1> to vector<64x64xi32>
    %sign3A_135 = arith.constant 0 : i32
    %sign3A_136 = vector.broadcast %sign3A_135 : i32 to vector<64x64xi32>
    %sign3A_137 = arith.cmpi slt, %iota3A_127, %sign3A_136 : vector<64x64xi32>
    %sign3A_138 = arith.extui %sign3A_137 : vector<64x64xi1> to vector<64x64xi32>
    %sign3A_139 = arith.subi %sign3A_134, %sign3A_138 : vector<64x64xi32>
    %sign3A_140 = arith.constant 0 : i32
    %sign3A_141 = arith.cmpi sgt, %jit3A_128, %sign3A_140 : i32
    %sign3A_142 = arith.extui %sign3A_141 : i1 to i32
    %sign3A_143 = arith.constant 0 : i32
    %sign3A_144 = arith.cmpi slt, %jit3A_128, %sign3A_143 : i32
    %sign3A_145 = arith.extui %sign3A_144 : i1 to i32
    %sign3A_146 = arith.subi %sign3A_142, %sign3A_145 : i32
    %ne3A_147 = vector.broadcast %sign3A_146 : i32 to vector<64x64xi32>
    %ne3A_148 = arith.cmpi ne, %sign3A_139, %ne3A_147 : vector<64x64xi32>
    %rem3A_149 = vector.broadcast %jit3A_128 : i32 to vector<64x64xi32>
    %rem3A_150 = arith.remsi %iota3A_127, %rem3A_149 : vector<64x64xi32>
    %ne3A_151 = arith.constant 0 : i32
    %ne3A_152 = vector.broadcast %ne3A_151 : i32 to vector<64x64xi32>
    %ne3A_153 = arith.cmpi ne, %rem3A_150, %ne3A_152 : vector<64x64xi32>
    %and3A_154 = arith.andi %ne3A_148, %ne3A_153 : vector<64x64xi1>
    %sub3A_155 = arith.constant 1 : i32
    %sub3A_156 = vector.broadcast %sub3A_155 : i32 to vector<64x64xi32>
    %sub3A_157 = arith.subi %div3A_130, %sub3A_156 : vector<64x64xi32>
    %select_n3A_158 = arith.select %and3A_154, %sub3A_157, %div3A_130 : vector<64x64xi1>, vector<64x64xi32>
    %eq3A_159 = arith.cmpi eq, %select_n3A_126, %select_n3A_158 : vector<64x64xi32>
    %convert_element_type3A_160 = arith.extui %eq3A_159 : vector<64x64xi1> to vector<64x64xi32>
    %convert_element_type3A_161 = arith.sitofp %convert_element_type3A_160 : vector<64x64xi32> to vector<64x64xf32>
    %mul3A_162 = arith.constant 1.562500e-02 : f32
    %mul3A_163 = vector.broadcast %mul3A_162 : f32 to vector<64x64xf32>
    %mul3A_164 = arith.mulf %convert_element_type3A_161, %mul3A_163 : vector<64x64xf32>
    %get3A_165 = arith.constant 1 : index
    %get3A_166 = arith.constant 64 : index
    %get3A_167 = vector.load %arg11[%get3A_165, %get3A_166] : memref<3x256xf32, #tpu.memory_space<vmem>>, vector<1x64xf32>
    %get3A_168 = vector.shape_cast %get3A_167 : vector<1x64xf32> to vector<64xf32>
    %get3A_169 = arith.constant 1 : index
    %get3A_170 = arith.constant 128 : index
    %get3A_171 = vector.load %arg11[%get3A_169, %get3A_170] : memref<3x256xf32, #tpu.memory_space<vmem>>, vector<1x64xf32>
    %get3A_172 = vector.shape_cast %get3A_171 : vector<1x64xf32> to vector<64xf32>
    %dot_general3A_173 = arith.constant dense<0.000000e+00> : vector<2000x64xf32>
    %dot_general3A_174 = tpu.matmul %add3A_94, %mul3A_164, %dot_general3A_173 {dimension_numbers = #tpu.dot_dimension_numbers<[1], [0], [0], [1], [0, 0, 1, 1], [], []>, transpose_lhs_hint = false} : vector<2000x64xf32>, vector<64x64xf32>, vector<2000x64xf32> -> vector<2000x64xf32>
    %sub3A_175 = arith.subf %add3A_94, %dot_general3A_174 : vector<2000x64xf32>
    %mul3A_176 = arith.mulf %sub3A_175, %sub3A_175 : vector<2000x64xf32>
    %dot_general3A_177 = arith.constant dense<0.000000e+00> : vector<2000x64xf32>
    %dot_general3A_178 = tpu.matmul %mul3A_176, %mul3A_164, %dot_general3A_177 {dimension_numbers = #tpu.dot_dimension_numbers<[1], [0], [0], [1], [0, 0, 1, 1], [], []>, transpose_lhs_hint = false} : vector<2000x64xf32>, vector<64x64xf32>, vector<2000x64xf32> -> vector<2000x64xf32>
    %add3A_179 = arith.constant 9.99999974E-6 : f32
    %add3A_180 = vector.broadcast %add3A_179 : f32 to vector<2000x64xf32>
    %add3A_181 = arith.addf %dot_general3A_178, %add3A_180 : vector<2000x64xf32>
    %rsqrt3A = math.rsqrt %add3A_181 : vector<2000x64xf32>
    %mul3A_182 = arith.mulf %sub3A_175, %rsqrt3A : vector<2000x64xf32>
    %broadcast_in_dim3A_183 = vector.shape_cast %get3A_168 : vector<64xf32> to vector<1x64xf32>
    %mul3A_184 = vector.broadcast %broadcast_in_dim3A_183 : vector<1x64xf32> to vector<2000x64xf32>
    %mul3A_185 = arith.mulf %mul3A_182, %mul3A_184 : vector<2000x64xf32>
    %broadcast_in_dim3A_186 = vector.shape_cast %get3A_172 : vector<64xf32> to vector<1x64xf32>
    %add3A_187 = vector.broadcast %broadcast_in_dim3A_186 : vector<1x64xf32> to vector<2000x64xf32>
    %add3A_188 = arith.addf %mul3A_185, %add3A_187 : vector<2000x64xf32>
    %get3A_189 = arith.constant 0 : index
    %get3A_190 = arith.constant 0 : index
    %get3A_191 = vector.load %arg9[%get3A_189, %get3A_190] : memref<64x256xf32, #tpu.memory_space<vmem>>, vector<64x256xf32>
    %dot_general3A_192 = arith.constant dense<0.000000e+00> : vector<2000x256xf32>
    %dot_general3A_193 = tpu.matmul %add3A_188, %get3A_191, %dot_general3A_192 {dimension_numbers = #tpu.dot_dimension_numbers<[1], [0], [0], [1], [0, 0, 1, 1], [], []>, transpose_lhs_hint = false} : vector<2000x64xf32>, vector<64x256xf32>, vector<2000x256xf32> -> vector<2000x256xf32>
    %get3A_194 = arith.constant 2 : index
    %get3A_195 = arith.constant 0 : index
    %get3A_196 = vector.load %arg11[%get3A_194, %get3A_195] : memref<3x256xf32, #tpu.memory_space<vmem>>, vector<1x256xf32>
    %get3A_197 = vector.shape_cast %get3A_196 : vector<1x256xf32> to vector<256xf32>
    %broadcast_in_dim3A_198 = vector.shape_cast %get3A_197 : vector<256xf32> to vector<1x256xf32>
    %add3A_199 = vector.broadcast %broadcast_in_dim3A_198 : vector<1x256xf32> to vector<2000x256xf32>
    %add3A_200 = arith.addf %dot_general3A_193, %add3A_199 : vector<2000x256xf32>
    %max3A = arith.constant 0.000000e+00 : f32
    %max3A_201 = vector.broadcast %max3A : f32 to vector<2000x256xf32>
    %max3A_202 = arith.maximumf %add3A_200, %max3A_201 : vector<2000x256xf32>
    %get3A_203 = arith.constant 0 : index
    %get3A_204 = arith.constant 0 : index
    %get3A_205 = vector.load %arg10[%get3A_203, %get3A_204] : memref<256x64xf32, #tpu.memory_space<vmem>>, vector<256x64xf32>
    %dot_general3A_206 = arith.constant dense<0.000000e+00> : vector<2000x64xf32>
    %dot_general3A_207 = tpu.matmul %max3A_202, %get3A_205, %dot_general3A_206 {dimension_numbers = #tpu.dot_dimension_numbers<[1], [0], [0], [1], [0, 0, 1, 1], [], []>, transpose_lhs_hint = false} : vector<2000x256xf32>, vector<256x64xf32>, vector<2000x64xf32> -> vector<2000x64xf32>
    %get3A_208 = arith.constant 1 : index
    %get3A_209 = arith.constant 192 : index
    %get3A_210 = vector.load %arg11[%get3A_208, %get3A_209] : memref<3x256xf32, #tpu.memory_space<vmem>>, vector<1x64xf32>
    %get3A_211 = vector.shape_cast %get3A_210 : vector<1x64xf32> to vector<64xf32>
    %broadcast_in_dim3A_212 = vector.shape_cast %get3A_211 : vector<64xf32> to vector<1x64xf32>
    %add3A_213 = vector.broadcast %broadcast_in_dim3A_212 : vector<1x64xf32> to vector<2000x64xf32>
    %add3A_214 = arith.addf %dot_general3A_207, %add3A_213 : vector<2000x64xf32>
    %add3A_215 = arith.addf %add3A_94, %add3A_214 : vector<2000x64xf32>
    %swap3A = arith.constant 0 : index
    %swap3A_216 = arith.constant 0 : index
    %swap3A_217 = vector.load %arg12[%swap3A, %swap3A_216] : memref<2000x64xf32, #tpu.memory_space<vmem>>, vector<2000x64xf32>
    tpu.vector_store %arg12[%swap3A, %swap3A_216], %add3A_215 {strides = array<i32>} : memref<2000x64xf32, #tpu.memory_space<vmem>>, vector<2000x64xf32>,
    return
  }
  func.func @transform_0(%arg0: i32) -> (i32, i32, i32) {
    %c0_i32 = arith.constant 0 : i32
    %c0_i32_0 = arith.constant 0 : i32
    %c0_i32_1 = arith.constant 0 : i32
    return %c0_i32, %arg0, %c0_i32_0 : i32, i32, i32
  }
  func.func @transform_1(%arg0: i32) -> (i32, i32, i32) {
    %c1_i32 = arith.constant 1 : i32
    %c0_i32 = arith.constant 0 : i32
    %c0_i32_0 = arith.constant 0 : i32
    return %c1_i32, %arg0, %c0_i32 : i32, i32, i32
  }
  func.func @transform_2(%arg0: i32) -> (i32, i32, i32) {
    %c0_i32 = arith.constant 0 : i32
    %c0_i32_0 = arith.constant 0 : i32
    %c0_i32_1 = arith.constant 0 : i32
    return %c0_i32, %arg0, %c0_i32_0 : i32, i32, i32
  }
  func.func @transform_3(%arg0: i32) -> (i32, i32, i32) {
    %c1_i32 = arith.constant 1 : i32
    %c0_i32 = arith.constant 0 : i32
    %c0_i32_0 = arith.constant 0 : i32
    return %c1_i32, %arg0, %c0_i32 : i32, i32, i32
  }
  func.func @transform_4(%arg0: i32) -> (i32, i32) {
    %c0_i32 = arith.constant 0 : i32
    %c0_i32_0 = arith.constant 0 : i32
    return %arg0, %c0_i32 : i32, i32
  }
  func.func @transform_5(%arg0: i32) -> (i32, i32) {
    %c0_i32 = arith.constant 0 : i32
    %c0_i32_0 = arith.constant 0 : i32
    return %arg0, %c0_i32 : i32, i32
  }
  func.func @transform_6(%arg0: i32) -> (i32, i32) {
    %c0_i32 = arith.constant 0 : i32
    %c0_i32_0 = arith.constant 0 : i32
    %c0_i32_1 = arith.constant 0 : i32
    return %c0_i32, %c0_i32_0 : i32, i32
  }
  func.func @transform_7(%arg0: i32) -> (i32, i32) {
    %c0_i32 = arith.constant 0 : i32
    %c0_i32_0 = arith.constant 0 : i32
    %c0_i32_1 = arith.constant 0 : i32
    return %c0_i32, %c0_i32_0 : i32, i32
  }
  func.func @transform_8(%arg0: i32) -> (i32, i32) {
    %c0_i32 = arith.constant 0 : i32
    %c0_i32_0 = arith.constant 0 : i32
    %c0_i32_1 = arith.constant 0 : i32
    return %c0_i32, %c0_i32_0 : i32, i32
  }
  func.func @transform_9(%arg0: i32) -> (i32, i32) {
    %c0_i32 = arith.constant 0 : i32
    %c0_i32_0 = arith.constant 0 : i32
    %c0_i32_1 = arith.constant 0 : i32
    return %c0_i32, %c0_i32_0 : i32, i32
  }
  func.func @transform_10(%arg0: i32) -> (i32, i32) {
    %c0_i32 = arith.constant 0 : i32
    %c0_i32_0 = arith.constant 0 : i32
    %c0_i32_1 = arith.constant 0 : i32
    return %c0_i32, %c0_i32_0 : i32, i32
  }
  func.func @transform_11(%arg0: i32) -> (i32, i32) {
    %c0_i32 = arith.constant 0 : i32
    %c0_i32_0 = arith.constant 0 : i32
    return %arg0, %c0_i32 : i32, i32
  }
}

</mosaic_0001>

<sc_bundles>
// kernel: kernel.11.cloned.1.call-start
scs
__scs_entry_jumppad:
0x0: {  	(pc) =	sbr.rel $0x88, $3  }
0x1: {  	(tag) =	ssettag $0x0;
	lr =	simm.s32 $0x1  }
0x2: {  	[smem:$0x3F66] =	sst lr;
	_ =	strace $0xD0000000  }
0x3: {  	_ = 	snop  }
0x4: {  	_ = 	snop  }
0x5: {  	_ = 	snop  }
0x6: {  	_ = 	snop  }
0x7: {  	_ = 	snop  }
__scs_overlays_trampoline_lowered:
0x8: {  	[smem:$0x3F75] =	sst s0  }
0x9: {  	[smem:$0x3F76] =	sst s1  }
0xa: {  	[smem:$0x3F77] =	sst s2  }
0xb: {  	[smem:$0x3F78] =	sst s3  }
0xc: {  	[smem:$0x3F79] =	sst s4  }
0xd: {  	[smem:$0x3F7A] =	sst s5  }
0xe: {  	[smem:$0x3F7B] =	sst s6  }
0xf: {  	[smem:$0x3F7C] =	sst s7  }
0x10: {  	[smem:$0x3F7D] =	sst s8  }
0x11: {  	[smem:$0x3F7E] =	sst s9;
	s0 =	simm.s32 @!p0 $0x0  }
0x12: {  	s1 =	sld [smem:$0x3F64];
	s0 =	simm.s32 @p0 $0x1  }
0x13: {  	[smem:$0x3F7F] =	sst s0;
	s0 =	simm.s32 @!p1 $0x0  }
0x14: {  	s2 =	sld [smem:$0x3F63];
	s0 =	simm.s32 @p1 $0x1  }
0x15: {  	[smem:$0x3F80] =	sst s0;
	s0 =	simm.s32 @!p2 $0x0  }
0x16: {  	s3 =	sld [smem:$0x3FDB];
	s0 =	simm.s32 @p2 $0x1  }
0x17: {  	s4 =	simm.s32 $0x1BF5;
	[smem:$0x3F82] =	sst s0  }
0x18: {  	s0 =	sld [smem:$0x3F65];
	_ =	swait.ge [sflag:s4], $0x0  }
0x19: {  	s7 =	sld [smem:$0x3F66]  }
0x1a: {  	s8 =	sadd.s32 $0xFFFFE003, lr  }
0x1b: {  	s9 =	sadd.s32 $0xFFFFFEF7, lr;
	s5 =	simm.s32 $0xFFFFFFFF;
	p2 =	slt.u32 s8, $0xFFFFF086  }
0x1c: {  	p1 =	slt.u32 s9, $0xF7A;
	s5 =	simm.s32 @!p2 $0x0  }
0x1d: {  	s5 =	simm.s32 @p1 $0x1;
	p0 =	seq.s32 s7, s2  }
0x1e: {  	s7 =	smul.u32 @!p0 $0xF7A, s2;
	p2 =	seq.s32 @!p0 s5, $0x0  }
0x1f: {  	s9 =	smul.u32 $0xF7A, s1;
	s8 =	simm.s32 @!p0 $0x1BF5;
	p2 =	por !p2, p0  }
0x20: {  	[sflag:s8] =	ssyncset.s32 @!p0 $0xFFFFF086;
	s6 =	sadd.s32 @!p0 s3, s7;
	s7 =	simm.s32 @!p0 $0x108  }
0x21: {  	s3 =	sadd.s32 s3, s9;
	s6 =	sadd.s32 @!p0 $0x88, s6;
	s7 =	simm.s32 @p2 $0x1082  }
0x22: {  	[simem:s7], [sflag:s8] =	dma.local @!p0 [hbm:s6], $0xF7A  }
0x23: {  	s9 =	sor.u32 $0xD0000000, s2;
	s6 =	simm.s32 $0x108;
	_ =	swait.ge @!p0 [sflag:s8], $0x0  }
0x24: {  	s3 =	sadd.s32 $0x88, s3;
	s6 =	simm.s32 @!p1 $0x1082;
	[sflag:s4] =	ssyncset.s32 $0xFFFFF086  }
0x25: {  	[simem:s6], [sflag:s4] =	dma.local [hbm:s3], $0xF7A  }
0x26: {  	[smem:$0x3F66] =	sst s1;
	(tag) =	ssettag s2;
	_ =	strace s9  }
0x27: {  	s1 =	sld [smem:$0x3F76]  }
0x28: {  	s2 =	sld [smem:$0x3F77]  }
0x29: {  	s4 =	sld [smem:$0x3F79]  }
0x2a: {  	p0 =	seq.s32 s5, $0x0;
	s5 =	sld [smem:$0x3F7A]  }
0x2b: {  	s6 =	sld [smem:$0x3F7B]  }
0x2c: {  	s7 =	sld [smem:$0x3F7C]  }
0x2d: {  	s3 =	simm.s32 $0x108;
	s8 =	sld [smem:$0x3F7D]  }
0x2e: {  	s3 =	simm.s32 @!p0 $0x1082;
	s9 =	sld [smem:$0x3F7E]  }
0x2f: {  	lr =	sadd.s32 s0, s3;
	s0 =	sld [smem:$0x3F75]  }
0x30: {  	s3 =	sld [smem:$0x3F78]  }
0x31: {  	[smem:$0x3F81] =	sst s10  }
0x32: {  	s10 =	sld [smem:$0x3F7F];
	_ =	sdelay $0x3  }
0x33: {  	p0 =	seq.s32 s10, $0x1;
	s10 =	sld [smem:$0x3F81];
	_ =	sdelay $0x3  }
0x34: {  	[smem:$0x3F81] =	sst s10  }
0x35: {  	s10 =	sld [smem:$0x3F80];
	_ =	sdelay $0x3  }
0x36: {  	p1 =	seq.s32 s10, $0x1;
	s10 =	sld [smem:$0x3F81];
	_ =	sdelay $0x3  }
0x37: {  	[smem:$0x3F81] =	sst s10  }
0x38: {  	s10 =	sld [smem:$0x3F82]  }
0x39: {  	_ = 	snop;
	(pc) =	sbr.ind lr, $3  }
0x3a: {  	_ = 	snop  }
0x3b: {  	_ = 	snop  }
0x3c: {  	p2 =	seq.s32 s10, $0x1;
	s10 =	sld [smem:$0x3F81]  }
0x3d: {  	_ =	shalt  }
0x3e: {  	_ =	shalt  }
0x3f: {  	_ =	shalt  }
0x40: {  	_ =	shalt  }
0x41: {  	_ =	shalt  }
0x42: {  	_ =	shalt  }
0x43: {  	_ =	shalt  }
0x44: {  	_ =	shalt  }
0x45: {  	_ =	shalt  }
0x46: {  	_ =	shalt  }
0x47: {  	_ =	shalt  }
0x48: {  	_ =	shalt  }
0x49: {  	_ =	shalt  }
0x4a: {  	_ =	shalt  }
0x4b: {  	_ =	shalt  }
0x4c: {  	_ =	shalt  }
0x4d: {  	_ =	shalt  }
0x4e: {  	_ =	shalt  }
0x4f: {  	_ =	shalt  }
0x50: {  	_ =	shalt  }
0x51: {  	_ =	shalt  }
0x52: {  	_ =	shalt  }
0x53: {  	_ =	shalt  }
0x54: {  	_ =	shalt  }
0x55: {  	_ =	shalt  }
0x56: {  	_ =	shalt  }
0x57: {  	_ =	shalt  }
0x58: {  	_ =	shalt  }
0x59: {  	_ =	shalt  }
0x5a: {  	_ =	shalt  }
0x5b: {  	_ =	shalt  }
0x5c: {  	_ =	shalt  }
0x5d: {  	_ =	shalt  }
0x5e: {  	_ =	shalt  }
0x5f: {  	_ =	shalt  }
0x60: {  	_ =	shalt  }
0x61: {  	_ =	shalt  }
0x62: {  	_ =	shalt  }
0x63: {  	_ =	shalt  }
0x64: {  	_ =	shalt  }
0x65: {  	_ =	shalt  }
0x66: {  	_ =	shalt  }
0x67: {  	_ =	shalt  }
0x68: {  	_ =	shalt  }
0x69: {  	_ =	shalt  }
0x6a: {  	_ =	shalt  }
0x6b: {  	_ =	shalt  }
0x6c: {  	_ =	shalt  }
0x6d: {  	_ =	shalt  }
0x6e: {  	_ =	shalt  }
0x6f: {  	_ =	shalt  }
0x70: {  	_ =	shalt  }
0x71: {  	_ =	shalt  }
0x72: {  	_ =	shalt  }
0x73: {  	_ =	shalt  }
0x74: {  	_ =	shalt  }
0x75: {  	_ =	shalt  }
0x76: {  	_ =	shalt  }
0x77: {  	_ =	shalt  }
0x78: {  	_ =	shalt  }
0x79: {  	_ =	shalt  }
0x7a: {  	_ =	shalt  }
0x7b: {  	_ =	shalt  }
0x7c: {  	_ =	shalt  }
0x7d: {  	_ =	shalt  }
0x7e: {  	_ =	shalt  }
0x7f: {  	_ =	shalt  }
0x80: {  	_ =	shalt  }
0x81: {  	_ =	shalt  }
0x82: {  	_ =	shalt  }
0x83: {  	_ =	shalt  }
0x84: {  	_ =	shalt  }
0x85: {  	_ =	shalt  }
0x86: {  	_ =	shalt  }
0x87: {  	_ =	shalt  }
.Lfunc_end0:
.L_simem_size_0:
called_computation.1_lowered:
.L_overlay_start_0:
0x88: {  	s2 =	sld [smem:$0x3FD9]  }
0x89: {  	s3 =	sld [smem:$0x3FFE];
	_ =	sdelay $0x1  }
0x8a: {  	s1 =	srdreg.scid  }
0x8b: {  	s0 =	sand.u32 $0x1, s1  }
0x8c: {  	s17 =	sshll.u32 s0, $0xA;
	s2 =	sadd.s32 s3, s2  }
0x8d: {  	s2 =	sadd.s32 s2, s17  }
0x8e: {  	[smem:$0x3F8D] =	sst s2  }
0x8f: {  	_ = 	snop  }
0x90: {  	s18 =	sld [smem:$0x3FD0];
	(tm) =	ssettm $0x1  }
0x91: {  	s19 =	sld [smem:$0x3FFB];
	_ =	sdelay $0x3  }
0x92: {  	_ =	strace s19  }
0x93: {  	s2 =	sld [smem:$0x3FFC];
	_ =	sdelay $0x3  }
0x94: {  	_ =	strace s2  }
0x95: {  	s2 =	sld [smem:$0x3FFD];
	_ =	sdelay $0x3  }
0x96: {  	_ =	strace s2  }
0x97: {  	_ =	strace $0x8FFFFFFF  }
0x98: {  	s20 =	sld [smem:$0x3FDB];
	_ =	sdelay $0x1  }
0x99: {  	s4 =	simm.s32 $_scs_section_size  }
0x9a: {  	s5 =	simm.s32 $_size__tile_overlayer_lowered;
	s6 =	simm.s32 $_tile_overlayer_lowered  }
0x9b: {  	s7 =	simm.s32 $0x1BFF;
	s21 =	sshll.u32 s6, $0x1;
	s4 =	sadd.s32 s4, s20  }
0x9c: {  	s22 =	simm.s32 $0x0;
	s5 =	sshll.u32 s5, $0x1;
	s6 =	sadd.s32 s21, s4  }
0x9d: {  	[timem:s22], [sflag:s7] =	dma.local [hbm:s6], s5  }
0x9e: {  	_ =	swait.ge [sflag:s7], s5  }
0x9f: {  	s5 =	ssub.s32 $0x0, s5;
	[sflag:s7] =	ssyncset.done $0x0  }
0xa0: {  	[sflag:s7] =	ssyncadd.s32 s5;
	_ =	sdelay $0x1  }
0xa1: {  	s23 =	simm.s32 $0x1B8B  }
0xa2: {  	_ =	swait.ge [sflag:s23], $0x1  }
0xa3: {  	[sflag:s23] =	ssyncset.done $0x0  }
0xa4: {  	[sflag:s23] =	ssyncadd.s32 $0xFFFFFFFF  }
0xa5: {  	s5 =	sld [smem:$0x0]  }
0xa6: {  	s6 =	sand.u32 $0xFFFFFFFE, s1  }
0xa7: {  	p0 =	sne.s32 s1, s6  }
0xa8: {  	s6 =	sshll.u32 @p0 s6, $0xE  }
0xa9: {  	s6 =	sadd.s32 @p0 $0x11B8D, s6;
	s7 =	sshll.u32 @p0 s5, $0x11  }
0xaa: {  	s6 =	sor.u32 @p0 s7, s6  }
0xab: {  	[sflag:s6] =	ssyncadd.remote.s32 @p0 $0x1;
	_ =	sdelay $0x1  }
0xac: {  	s6 =	simm.s32 @p0 $0x1B8D  }
0xad: {  	_ =	swait.eq @p0 [sflag:s6], $0x1  }
0xae: {  	[sflag:s6] =	ssyncadd.s32 @p0 $0xFFFFFFFF  }
0xaf: {  	s7 =	sshll.u32 @!p0 s1, $0xE  }
0xb0: {  	s7 =	sor.u32 @!p0 $0x4000, s7;
	s6 =	simm.s32 @!p0 $0x1B8D  }
0xb1: {  	s5 =	sshll.u32 @!p0 s5, $0x11;
	s7 =	sadd.s32 @!p0 $0x11B8D, s7;
	_ =	swait.eq @!p0 [sflag:s6], $0x1  }
0xb2: {  	s5 =	sor.u32 @!p0 s5, s7;
	[sflag:s6] =	ssyncadd.s32 @!p0 $0xFFFFFFFF  }
0xb3: {  	s25 =	simm.s32 $0x1B8E;
	s24 =	sld [smem:$0x3FFE];
	[sflag:s5] =	ssyncadd.remote.s32 @!p0 $0x1  }
0xb4: {  	s26 =	simm.s32 $execute0_lowered;
	[smem:$0x3FD2] =	sst s25  }
0xb5: {  	s6 =	sshll.u32 s26, $0x1;
	_ =	strace $0x8000004C;
	[dreg:$0x1] =	wrdreg $0xFFFFFFFF  }
0xb6: {  	s28 =	simm.s32 $_size_execute0_lowered;
	s4 =	sadd.s32 s4, s6;
	[dreg:$0x0] =	wrdreg $0x0  }
0xb7: {  	s6 =	sshll.u32 s28, $0x1;
	[dreg:$0x2] =	wrdreg s4  }
0xb8: {  	[dreg:$0x3] =	wrdreg s6  }
0xb9: {  	[dreg:$0x4] =	wrdreg $0xC0  }
0xba: {  	_ =	task [dreg:s22], $0x5FFFF  }
0xbb: {  	[dreg:$0x1] =	wrdreg $0xFFFFFFFF  }
0xbc: {  	[dreg:$0x0] =	wrdreg $0x60  }
0xbd: {  	[dreg:$0x2] =	wrdreg s24  }
0xbe: {  	[dreg:$0x3] =	wrdreg s18  }
0xbf: {  	[dreg:$0x4] =	wrdreg $0x19C80  }
0xc0: {  	[dreg:$0x5] =	wrdreg $0x9  }
0xc1: {  	_ =	task.clear_ibuf [dreg:s22], $0x6FFFF;
	_ =	strace $0x9000004C  }
0xc2: {  	s29 =	simm.s32 $0x9;
	_ =	strace $0x8000004E  }
0xc3: {  	_ =	swait.ge [sflag:s29], $0x1  }
0xc4: {  	[sflag:s29] =	ssyncadd.s32 $0xFFFFFFFF  }
0xc5: {  	_ =	strace $0x9000004E  }
0xc6: {  	_ =	sfence  }
0xc7: {  	s30 =	sld [smem:$0x0];
	_ =	sdelay $0x2  }
0xc8: {  	s31 =	sshll.u32 s1, $0xD;
	s1 =	sshrl.u32 s1, $0x2  }
0xc9: {  	s4 =	sand.u32 $0x4000, s31;
	s1 =	sadd.s32 s1, s30  }
0xca: {  	s0 =	sor.u32 s4, s0;
	s1 =	sshll.u32 s1, $0x11  }
0xcb: {  	s0 =	sor.u32 s1, s0  }
0xcc: {  	s0 =	sadd.s32 $0x8F2B, s0  }
0xcd: {  	[sflag:s0] =	ssyncadd.remote.s32 $0x1  }
0xce: {  	_ =	sfence.sel $0xFFFF  }
0xcf: {  	[dreg:$0x0] =	wrdreg $0xFFFFFFFF;
	(pc) =	sbr.abs _section_cstart, $3  }
0xd0: {  	[dreg:$0x1] =	wrdreg $0xFFFFFFFF  }
0xd1: {  	_ =	task.clear_ibuf [dreg:s22], $0x2FFFF;
	_ =	strace $0x9FFFFFFF  }
0xd2: {  	(tm) =	ssettm $0x7FFFFFFF  }
0xd3: {  	_ =	shalt  }
tec
execute0_lowered:
.L_overlay_start_1:
0x0: {  	(tag) =	ssettag $0x1  }
0x1: {  	s4 =	rddreg [dreg:$0x0]  }
0x2: {  	s5 =	rddreg [dreg:$0x1]  }
0x3: {  	s0 =	stileid.u32;
	s1 =	srdreg.scid  }
0x4: {  	s2 =	rddreg [dreg:$0x2];
	s3 =	simm.s32 $0x0;
	s14 =	simm.s32 $0x80  }
0x5: {  	s15 =	simm.s32 $0xC8;
	s16 =	simm.s32 $0x10;
	s6 =	smul.u32 $0xC35, s0  }
0x6: {  	s17 =	simm.s32 $0x4;
	s18 =	simm.s32 $0x0;
	s9 =	smul.u32 $0x61A80, s0  }
0x7: {  	s7 =	sand.u32 $0x1, s1;
	[smem:$0x7FF] =	sst s3;
	s24 =	smul.u32 $0x186A0, s0  }
0x8: {  	s1 =	rddreg [dreg:$0x3];
	s10 =	sadd.s32 $0x2046A00, s4;
	s12 =	smul.u32 $0x30D400, s0  }
0x9: {  	s29 =	sshll.u32 s0, $0x6;
	s8 =	smul.u32 $0x61A800, s7;
	_ =	strace $0x8000004D  }
0xa: {  	s23 =	ssub.s32 $0x2, s7;
	s26 =	sshll.u32 s7, $0x5;
	s11 =	sadd.s32 s6, s4  }
0xb: {  	s25 =	sshrl.u32 s23, $0x1;
	s13 =	sadd.s32 s24, s2;
	s28 =	sshrl.u32 s24, $0x3  }
0xc: {  	s12 =	sor.u32 s26, s12;
	s22 =	sadd.s32 s9, s8;
	s8 =	ssub.s32 s23, s25  }
0xd: {  	s30 =	sor.u32 $0x40, s12;
	s12 =	sshrl.u32 s12, $0x3;
	s6 =	sshrl.u32 s22, $0x3  }
0xe: {  	s31 =	sshrl.u32 s30, $0x3;
	s7 =	smax.u32 s8, $0x1;
	s9 =	sadd.s32 s12, s10  }
0xf: {  	s12 =	simm.s32 $0x1;
	s6 =	sadd.s32 s6, s4;
	s4 =	sadd.s32 s5, s28  }
0x10: {  	s5 =	sor.u32 $0x1C01, s29;
	s8 =	sadd.s32 s31, s10;
	s10 =	sadd.s32 $0x5AB000, s11  }
0x11: {  	s11 =	sshrl.u32 s13, $0x3;
	s13 =	simm.s32 $0x20;
	s6 =	sadd.s32 $0x32FA00, s6  }
.LBB2_1:
0x12: {  	[spmem:s11], [sflag:s5] =	dma.local [hbm:s4], $0x30D4  }
0x13: {  	_ =	swait.ge [sflag:s12], $0x30D4  }
0x14: {  	[sflag:s12] =	ssyncset.done $0x0  }
0x15: {  	[sflag:s12] =	ssyncadd.s32 $0xFFFFCF2C  }
0x16: {  	[bflag:$0x0] =	sbarrier.arrive $0xFFFF  }
0x17: {  	[tilespmem:s3], [sflag:$0x1] =	stream.linear.gather [hbm4b:s10+s3], $0xC8, $0x38;
	[tilespmem:$0x1A068] =	vst v63  }
0x18: {  	_ =	swait.ge [sflag:s12], $0xC8  }
0x19: {  	[sflag:s12] =	ssyncset.done $0x0  }
0x1a: {  	s19 =	sadd.s32 $0x0, s9;
	[sflag:s12] =	ssyncadd.s32 $0xFFFFFF38  }
0x1b: {  	[tilespmem:s15], [sflag:$0x1] =	stream.strided.gather [hbm4b:s19+s13], $0x1900, s14, s13, $0x38;
	[tilespmem:$0x1A068] =	vst v63  }
0x1c: {  	_ =	swait.ge [sflag:s12], $0x1900  }
0x1d: {  	[sflag:s12] =	ssyncset.done $0x0  }
0x1e: {  	[sflag:s12] =	ssyncadd.s32 $0xFFFFE700  }
0x1f: {  	[spmem:s2] =	stream.indirect.scatter.add.f32 [tilespmem:s15], [sflag:$0x1], $0x20, s3, s15, $0xb8;
	[tilespmem:$0x1A068] =	vst v63  }
0x20: {  	_ =	swait.ge [sflag:s12], $0x1900  }
0x21: {  	[sflag:s12] =	ssyncset.done $0x0  }
0x22: {  	s30 =	sadd.s32 $0xC350, s10;
	[sflag:s12] =	ssyncadd.s32 $0xFFFFE700  }
0x23: {  	[tilespmem:s3], [sflag:$0x1] =	stream.linear.gather [hbm4b:s30+s3], $0xC8, $0x38;
	[tilespmem:$0x1A068] =	vst v63  }
0x24: {  	_ =	swait.ge [sflag:s12], $0xC8  }
0x25: {  	[sflag:s12] =	ssyncset.done $0x0  }
0x26: {  	s31 =	sadd.s32 $0x0, s8;
	[sflag:s12] =	ssyncadd.s32 $0xFFFFFF38  }
0x27: {  	[tilespmem:s15], [sflag:$0x1] =	stream.strided.gather [hbm4b:s31+s13], $0x1900, s14, s13, $0x38;
	[tilespmem:$0x1A068] =	vst v63  }
0x28: {  	_ =	swait.ge [sflag:s12], $0x1900  }
0x29: {  	[sflag:s12] =	ssyncset.done $0x0  }
0x2a: {  	[sflag:s12] =	ssyncadd.s32 $0xFFFFE700  }
0x2b: {  	[spmem:s2] =	stream.indirect.scatter.add.f32 [tilespmem:s15], [sflag:$0x1], $0x20, s3, s15, $0xb8;
	[tilespmem:$0x1A068] =	vst v63  }
0x2c: {  	_ =	swait.ge [sflag:s12], $0x1900  }
0x2d: {  	s20 =	smov.u32 s10;
	s19 =	simm.s32 $0xC80;
	[sflag:s12] =	ssyncset.done $0x0  }
.LBB2_2:
0x2e: {  	p0 =	sne.s32 s19, $0x60E00;
	[sflag:s12] =	ssyncadd.s32 $0xFFFFE700;
	s20 =	sadd.s32 $0x19, s20  }
0x2f: {  	[tilespmem:s3], [sflag:$0x1] =	stream.linear.gather [hbm4b:s20+s3], $0xC8, $0x38;
	[tilespmem:$0x1A068] =	vst v63  }
0x30: {  	s21 =	smov.u32 s19;
	s19 =	sadd.s32 $0xC80, s19;
	_ =	swait.ge [sflag:s12], $0xC8  }
0x31: {  	[sflag:s12] =	ssyncset.done $0x0  }
0x32: {  	s22 =	sadd.s32 s21, s9;
	[sflag:s12] =	ssyncadd.s32 $0xFFFFFF38  }
0x33: {  	[tilespmem:s15], [sflag:$0x1] =	stream.strided.gather [hbm4b:s22+s13], $0x1900, s14, s13, $0x38;
	[tilespmem:$0x1A068] =	vst v63  }
0x34: {  	_ =	swait.ge [sflag:s12], $0x1900  }
0x35: {  	[sflag:s12] =	ssyncset.done $0x0  }
0x36: {  	[sflag:s12] =	ssyncadd.s32 $0xFFFFE700  }
0x37: {  	[spmem:s2] =	stream.indirect.scatter.add.f32 [tilespmem:s15], [sflag:$0x1], $0x20, s3, s15, $0xb8;
	[tilespmem:$0x1A068] =	vst v63  }
0x38: {  	_ =	swait.ge [sflag:s12], $0x1900  }
0x39: {  	[sflag:s12] =	ssyncset.done $0x0  }
0x3a: {  	s22 =	sadd.s32 $0xC350, s20;
	[sflag:s12] =	ssyncadd.s32 $0xFFFFE700  }
0x3b: {  	[tilespmem:s3], [sflag:$0x1] =	stream.linear.gather [hbm4b:s22+s3], $0xC8, $0x38;
	[tilespmem:$0x1A068] =	vst v63  }
0x3c: {  	_ =	swait.ge [sflag:s12], $0xC8  }
0x3d: {  	[sflag:s12] =	ssyncset.done $0x0  }
0x3e: {  	s21 =	sadd.s32 s21, s8;
	[sflag:s12] =	ssyncadd.s32 $0xFFFFFF38  }
0x3f: {  	[tilespmem:s15], [sflag:$0x1] =	stream.strided.gather [hbm4b:s21+s13], $0x1900, s14, s13, $0x38;
	[tilespmem:$0x1A068] =	vst v63  }
0x40: {  	_ =	swait.ge [sflag:s12], $0x1900  }
.Ltmp0:
0x41: {  	[sflag:s12] =	ssyncset.done $0x0;
	(pc) =	sbr.rel @p0 .LBB2_2-.Ltmp0, $4  }
0x42: {  	[sflag:s12] =	ssyncadd.s32 $0xFFFFE700  }
0x43: {  	[spmem:s2] =	stream.indirect.scatter.add.f32 [tilespmem:s15], [sflag:$0x1], $0x20, s3, s15, $0xb8;
	[tilespmem:$0x1A068] =	vst v63  }
0x44: {  	_ =	swait.ge [sflag:s12], $0x1900  }
0x45: {  	[sflag:s12] =	ssyncset.done $0x0  }
0x46: {  	s18 =	sadd.s32 $0x1, s18  }
0x47: {  	[sflag:s12] =	ssyncadd.s32 $0xFFFFE700;
	p0 =	sne.s32 s18, s7  }
.Ltmp1:
0x48: {  	[bflag:$0x0] =	sbarrier.arrive $0xFFFF;
	(pc) =	sbr.rel @p0 .LBB2_1-.Ltmp1, $4  }
0x49: {  	[hbm:s6@s16], [sflag:s5] =	dma.strided [spmem:s11@s17], $0x30D4, s12, $0x4   }
0x4a: {  	_ =	swait.ge [sflag:s12], $0x30D4  }
0x4b: {  	[sflag:s12] =	ssyncset.done $0x0  }
0x4c: {  	[sflag:s12] =	ssyncadd.s32 $0xFFFFCF2C  }
0x4d: {  	_ =	sfence.sel $0x180000  }
0x4e: {  	[bflag:$0x0] =	sbarrier.arrive $0xFFFF  }
0x4f: {  	p0 =	sne.s32 s0, $0x0;
	_ =	strace $0x9000004D  }
0x50: {  	s0 =	sadd.s32 @!p0 $0x100000, s1;
	[bflag:$0x2] =	sbarrier.arrive $0xFFFF  }
0x51: {  	[sflag:s0] =	ssyncadd.tile.s32 @!p0 $0x1;
	_ =	shalt  }
.Lfunc_end2:
_tile_overlayer_lowered:
.L_overlay_start_2:
0x52: {  	(tag) =	ssettag $0x2  }
0x53: {  	s0 =	rddreg [dreg:$0x0];
	s2 =	stileid.u32  }
0x54: {  	s1 =	rddreg [dreg:$0x1];
	p0 =	sne.s32 s2, $0x0  }
0x55: {  	s3 =	rddreg [dreg:$0x2];
	[bflag:$0x3] =	sbarrier.arrive $0xFFFF;
	s2 =	simm.s32 @!p0 $0x1C01  }
0x56: {  	[timem:s3], [sflag:s2] =	dma.local @!p0 [hbm:s0], s1  }
0x57: {  	s0 =	simm.s32 @!p0 $0x1  }
0x58: {  	_ =	swait.ge @!p0 [sflag:s0], s1  }
0x59: {  	s1 =	ssub.s32 @!p0 $0x0, s1;
	[sflag:s0] =	ssyncset.done @!p0 $0x0  }
0x5a: {  	[sflag:s0] =	ssyncadd.s32 @!p0 s1  }
0x5b: {  	[bflag:$0x3] =	sbarrier.arrive $0xFFFF  }
0x5c: {  	_ =	shalt  }

// kernel: kernel.14.cloned.1.call-start
scs
__scs_entry_jumppad:
0x0: {  	(pc) =	sbr.rel $0x88, $3  }
0x1: {  	(tag) =	ssettag $0x0;
	lr =	simm.s32 $0x1  }
0x2: {  	[smem:$0x3F66] =	sst lr;
	_ =	strace $0xD0000000  }
0x3: {  	_ = 	snop  }
0x4: {  	_ = 	snop  }
0x5: {  	_ = 	snop  }
0x6: {  	_ = 	snop  }
0x7: {  	_ = 	snop  }
__scs_overlays_trampoline_lowered:
0x8: {  	[smem:$0x3F75] =	sst s0  }
0x9: {  	[smem:$0x3F76] =	sst s1  }
0xa: {  	[smem:$0x3F77] =	sst s2  }
0xb: {  	[smem:$0x3F78] =	sst s3  }
0xc: {  	[smem:$0x3F79] =	sst s4  }
0xd: {  	[smem:$0x3F7A] =	sst s5  }
0xe: {  	[smem:$0x3F7B] =	sst s6  }
0xf: {  	[smem:$0x3F7C] =	sst s7  }
0x10: {  	[smem:$0x3F7D] =	sst s8  }
0x11: {  	[smem:$0x3F7E] =	sst s9;
	s0 =	simm.s32 @!p0 $0x0  }
0x12: {  	s1 =	sld [smem:$0x3F64];
	s0 =	simm.s32 @p0 $0x1  }
0x13: {  	[smem:$0x3F7F] =	sst s0;
	s0 =	simm.s32 @!p1 $0x0  }
0x14: {  	s2 =	sld [smem:$0x3F63];
	s0 =	simm.s32 @p1 $0x1  }
0x15: {  	[smem:$0x3F80] =	sst s0;
	s0 =	simm.s32 @!p2 $0x0  }
0x16: {  	s3 =	sld [smem:$0x3FDB];
	s0 =	simm.s32 @p2 $0x1  }
0x17: {  	s4 =	simm.s32 $0x1BF5;
	[smem:$0x3F82] =	sst s0  }
0x18: {  	s0 =	sld [smem:$0x3F65];
	_ =	swait.ge [sflag:s4], $0x0  }
0x19: {  	s7 =	sld [smem:$0x3F66]  }
0x1a: {  	s8 =	sadd.s32 $0xFFFFE003, lr  }
0x1b: {  	s9 =	sadd.s32 $0xFFFFFEF7, lr;
	s5 =	simm.s32 $0xFFFFFFFF;
	p2 =	slt.u32 s8, $0xFFFFF086  }
0x1c: {  	p1 =	slt.u32 s9, $0xF7A;
	s5 =	simm.s32 @!p2 $0x0  }
0x1d: {  	s5 =	simm.s32 @p1 $0x1;
	p0 =	seq.s32 s7, s2  }
0x1e: {  	s7 =	smul.u32 @!p0 $0xF7A, s2;
	p2 =	seq.s32 @!p0 s5, $0x0  }
0x1f: {  	s9 =	smul.u32 $0xF7A, s1;
	s8 =	simm.s32 @!p0 $0x1BF5;
	p2 =	por !p2, p0  }
0x20: {  	[sflag:s8] =	ssyncset.s32 @!p0 $0xFFFFF086;
	s6 =	sadd.s32 @!p0 s3, s7;
	s7 =	simm.s32 @!p0 $0x108  }
0x21: {  	s3 =	sadd.s32 s3, s9;
	s6 =	sadd.s32 @!p0 $0x88, s6;
	s7 =	simm.s32 @p2 $0x1082  }
0x22: {  	[simem:s7], [sflag:s8] =	dma.local @!p0 [hbm:s6], $0xF7A  }
0x23: {  	s9 =	sor.u32 $0xD0000000, s2;
	s6 =	simm.s32 $0x108;
	_ =	swait.ge @!p0 [sflag:s8], $0x0  }
0x24: {  	s3 =	sadd.s32 $0x88, s3;
	s6 =	simm.s32 @!p1 $0x1082;
	[sflag:s4] =	ssyncset.s32 $0xFFFFF086  }
0x25: {  	[simem:s6], [sflag:s4] =	dma.local [hbm:s3], $0xF7A  }
0x26: {  	[smem:$0x3F66] =	sst s1;
	(tag) =	ssettag s2;
	_ =	strace s9  }
0x27: {  	s1 =	sld [smem:$0x3F76]  }
0x28: {  	s2 =	sld [smem:$0x3F77]  }
0x29: {  	s4 =	sld [smem:$0x3F79]  }
0x2a: {  	p0 =	seq.s32 s5, $0x0;
	s5 =	sld [smem:$0x3F7A]  }
0x2b: {  	s6 =	sld [smem:$0x3F7B]  }
0x2c: {  	s7 =	sld [smem:$0x3F7C]  }
0x2d: {  	s3 =	simm.s32 $0x108;
	s8 =	sld [smem:$0x3F7D]  }
0x2e: {  	s3 =	simm.s32 @!p0 $0x1082;
	s9 =	sld [smem:$0x3F7E]  }
0x2f: {  	lr =	sadd.s32 s0, s3;
	s0 =	sld [smem:$0x3F75]  }
0x30: {  	s3 =	sld [smem:$0x3F78]  }
0x31: {  	[smem:$0x3F81] =	sst s10  }
0x32: {  	s10 =	sld [smem:$0x3F7F];
	_ =	sdelay $0x3  }
0x33: {  	p0 =	seq.s32 s10, $0x1;
	s10 =	sld [smem:$0x3F81];
	_ =	sdelay $0x3  }
0x34: {  	[smem:$0x3F81] =	sst s10  }
0x35: {  	s10 =	sld [smem:$0x3F80];
	_ =	sdelay $0x3  }
0x36: {  	p1 =	seq.s32 s10, $0x1;
	s10 =	sld [smem:$0x3F81];
	_ =	sdelay $0x3  }
0x37: {  	[smem:$0x3F81] =	sst s10  }
0x38: {  	s10 =	sld [smem:$0x3F82]  }
0x39: {  	_ = 	snop;
	(pc) =	sbr.ind lr, $3  }
0x3a: {  	_ = 	snop  }
0x3b: {  	_ = 	snop  }
0x3c: {  	p2 =	seq.s32 s10, $0x1;
	s10 =	sld [smem:$0x3F81]  }
0x3d: {  	_ =	shalt  }
0x3e: {  	_ =	shalt  }
0x3f: {  	_ =	shalt  }
0x40: {  	_ =	shalt  }
0x41: {  	_ =	shalt  }
0x42: {  	_ =	shalt  }
0x43: {  	_ =	shalt  }
0x44: {  	_ =	shalt  }
0x45: {  	_ =	shalt  }
0x46: {  	_ =	shalt  }
0x47: {  	_ =	shalt  }
0x48: {  	_ =	shalt  }
0x49: {  	_ =	shalt  }
0x4a: {  	_ =	shalt  }
0x4b: {  	_ =	shalt  }
0x4c: {  	_ =	shalt  }
0x4d: {  	_ =	shalt  }
0x4e: {  	_ =	shalt  }
0x4f: {  	_ =	shalt  }
0x50: {  	_ =	shalt  }
0x51: {  	_ =	shalt  }
0x52: {  	_ =	shalt  }
0x53: {  	_ =	shalt  }
0x54: {  	_ =	shalt  }
0x55: {  	_ =	shalt  }
0x56: {  	_ =	shalt  }
0x57: {  	_ =	shalt  }
0x58: {  	_ =	shalt  }
0x59: {  	_ =	shalt  }
0x5a: {  	_ =	shalt  }
0x5b: {  	_ =	shalt  }
0x5c: {  	_ =	shalt  }
0x5d: {  	_ =	shalt  }
0x5e: {  	_ =	shalt  }
0x5f: {  	_ =	shalt  }
0x60: {  	_ =	shalt  }
0x61: {  	_ =	shalt  }
0x62: {  	_ =	shalt  }
0x63: {  	_ =	shalt  }
0x64: {  	_ =	shalt  }
0x65: {  	_ =	shalt  }
0x66: {  	_ =	shalt  }
0x67: {  	_ =	shalt  }
0x68: {  	_ =	shalt  }
0x69: {  	_ =	shalt  }
0x6a: {  	_ =	shalt  }
0x6b: {  	_ =	shalt  }
0x6c: {  	_ =	shalt  }
0x6d: {  	_ =	shalt  }
0x6e: {  	_ =	shalt  }
0x6f: {  	_ =	shalt  }
0x70: {  	_ =	shalt  }
0x71: {  	_ =	shalt  }
0x72: {  	_ =	shalt  }
0x73: {  	_ =	shalt  }
0x74: {  	_ =	shalt  }
0x75: {  	_ =	shalt  }
0x76: {  	_ =	shalt  }
0x77: {  	_ =	shalt  }
0x78: {  	_ =	shalt  }
0x79: {  	_ =	shalt  }
0x7a: {  	_ =	shalt  }
0x7b: {  	_ =	shalt  }
0x7c: {  	_ =	shalt  }
0x7d: {  	_ =	shalt  }
0x7e: {  	_ =	shalt  }
0x7f: {  	_ =	shalt  }
0x80: {  	_ =	shalt  }
0x81: {  	_ =	shalt  }
0x82: {  	_ =	shalt  }
0x83: {  	_ =	shalt  }
0x84: {  	_ =	shalt  }
0x85: {  	_ =	shalt  }
0x86: {  	_ =	shalt  }
0x87: {  	_ =	shalt  }
.Lfunc_end0:
.L_simem_size_0:
called_computation.2_lowered:
.L_overlay_start_0:
0x88: {  	s2 =	sld [smem:$0x3FD9]  }
0x89: {  	s3 =	sld [smem:$0x3FFE];
	_ =	sdelay $0x1  }
0x8a: {  	s1 =	srdreg.scid  }
0x8b: {  	s0 =	sand.u32 $0x1, s1  }
0x8c: {  	s16 =	sshll.u32 s0, $0xA;
	s2 =	sadd.s32 s3, s2  }
0x8d: {  	s2 =	sadd.s32 s2, s16  }
0x8e: {  	[smem:$0x3F8D] =	sst s2  }
0x8f: {  	_ = 	snop  }
0x90: {  	(tm) =	ssettm $0x1  }
0x91: {  	s17 =	sld [smem:$0x3FFB];
	_ =	sdelay $0x3  }
0x92: {  	_ =	strace s17  }
0x93: {  	s2 =	sld [smem:$0x3FFC];
	_ =	sdelay $0x3  }
0x94: {  	_ =	strace s2  }
0x95: {  	s2 =	sld [smem:$0x3FFD];
	_ =	sdelay $0x3  }
0x96: {  	_ =	strace s2  }
0x97: {  	_ =	strace $0x8FFFFFFF  }
0x98: {  	s18 =	sld [smem:$0x3FDB];
	_ =	sdelay $0x1  }
0x99: {  	s19 =	simm.s32 $_scs_section_size  }
0x9a: {  	s4 =	simm.s32 $_size__tile_overlayer_lowered;
	s5 =	simm.s32 $_tile_overlayer_lowered  }
0x9b: {  	s22 =	simm.s32 $0x1BFF;
	s21 =	sshll.u32 s5, $0x1;
	s2 =	sadd.s32 s19, s18  }
0x9c: {  	s6 =	simm.s32 $0x0;
	s20 =	sshll.u32 s4, $0x1;
	s4 =	sadd.s32 s21, s2  }
0x9d: {  	[timem:s6], [sflag:s22] =	dma.local [hbm:s4], s20  }
0x9e: {  	_ =	swait.ge [sflag:s22], s20  }
0x9f: {  	s3 =	ssub.s32 $0x0, s20;
	[sflag:s22] =	ssyncset.done $0x0  }
0xa0: {  	[sflag:s22] =	ssyncadd.s32 s3;
	_ =	sdelay $0x1  }
0xa1: {  	s23 =	simm.s32 $0x1B8B  }
0xa2: {  	_ =	swait.ge [sflag:s23], $0x1  }
0xa3: {  	[sflag:s23] =	ssyncset.done $0x0  }
0xa4: {  	s25 =	simm.s32 $0x1B8E;
	s24 =	sld [smem:$0x3FFE];
	[sflag:s23] =	ssyncadd.s32 $0xFFFFFFFF  }
0xa5: {  	s26 =	simm.s32 $execute0_lowered;
	[smem:$0x3FD2] =	sst s25  }
0xa6: {  	s4 =	sshll.u32 s26, $0x1;
	_ =	strace $0x80000049;
	[dreg:$0x1] =	wrdreg $0xFFFFFFFF  }
0xa7: {  	s28 =	simm.s32 $_size_execute0_lowered;
	s2 =	sadd.s32 s2, s4;
	[dreg:$0x0] =	wrdreg $0x0  }
0xa8: {  	s4 =	sshll.u32 s28, $0x1;
	[dreg:$0x2] =	wrdreg s2  }
0xa9: {  	[dreg:$0x3] =	wrdreg s4  }
0xaa: {  	[dreg:$0x4] =	wrdreg $0xC0  }
0xab: {  	_ =	task [dreg:s6], $0x5FFFF  }
0xac: {  	[dreg:$0x1] =	wrdreg $0xFFFFFFFF  }
0xad: {  	[dreg:$0x0] =	wrdreg $0x60  }
0xae: {  	[dreg:$0x2] =	wrdreg s24  }
0xaf: {  	[dreg:$0x3] =	wrdreg $0xD480  }
0xb0: {  	[dreg:$0x4] =	wrdreg $0xA  }
0xb1: {  	_ =	task.clear_ibuf [dreg:s6], $0x5FFFF;
	_ =	strace $0x90000049  }
0xb2: {  	s29 =	simm.s32 $0xA;
	_ =	strace $0x8000004B  }
0xb3: {  	_ =	swait.ge [sflag:s29], $0x1  }
0xb4: {  	[sflag:s29] =	ssyncadd.s32 $0xFFFFFFFF  }
0xb5: {  	_ =	strace $0x9000004B  }
0xb6: {  	_ =	sfence  }
0xb7: {  	s30 =	sld [smem:$0x0];
	_ =	sdelay $0x2  }
0xb8: {  	s31 =	sshll.u32 s1, $0xD;
	s1 =	sshrl.u32 s1, $0x2  }
0xb9: {  	s3 =	sand.u32 $0x4000, s31;
	s1 =	sadd.s32 s1, s30  }
0xba: {  	s0 =	sor.u32 s3, s0;
	s1 =	sshll.u32 s1, $0x11  }
0xbb: {  	s0 =	sor.u32 s1, s0  }
0xbc: {  	s0 =	sadd.s32 $0x8F2B, s0  }
0xbd: {  	[sflag:s0] =	ssyncadd.remote.s32 $0x1  }
0xbe: {  	_ =	sfence.sel $0xFFFF  }
0xbf: {  	[dreg:$0x0] =	wrdreg $0xFFFFFFFF;
	(pc) =	sbr.abs _section_cstart, $3  }
0xc0: {  	[dreg:$0x1] =	wrdreg $0xFFFFFFFF  }
0xc1: {  	_ =	task.clear_ibuf [dreg:s6], $0x2FFFF;
	_ =	strace $0x9FFFFFFF  }
0xc2: {  	(tm) =	ssettm $0x7FFFFFFF  }
0xc3: {  	_ =	shalt  }
tec
execute0_lowered:
.L_overlay_start_1:
0x0: {  	(tag) =	ssettag $0x1  }
0x1: {  	s5 =	rddreg [dreg:$0x0]  }
0x2: {  	s0 =	srdreg.scid;
	s1 =	stileid.u32  }
0x3: {  	s2 =	rddreg [dreg:$0x1];
	s3 =	simm.s32 $0x0;
	s7 =	smul.u32 $0xC350, s1  }
0x4: {  	s22 =	simm.s32 $0xC8;
	s23 =	simm.s32 $0x2;
	s10 =	smul.u32 $0x61A80, s1  }
0x5: {  	s6 =	sand.u32 $0x1, s0;
	s0 =	rddreg [dreg:$0x2];
	s20 =	smul.u32 $0xC800, s1  }
0x6: {  	[smem:$0x7FF] =	sst s3;
	s17 =	sadd.s32 $0x9E00, s5;
	s4 =	smul.u32 $0xC3500, s6  }
0x7: {  	s25 =	sshll.u32 s1, $0x6;
	s8 =	smul.u32 $0x61A800, s6;
	_ =	strace $0x8000004A  }
0x8: {  	s24 =	ssub.s32 $0x2, s6;
	s6 =	smul.u32 $0xC350, s6;
	s9 =	sshrl.u32 s7, $0x3  }
0x9: {  	s11 =	sshrl.u32 s24, $0x1;
	s18 =	sadd.s32 s7, s2;
	s16 =	sadd.s32 s4, s5  }
0xa: {  	s9 =	sadd.s32 s9, s5;
	s8 =	sadd.s32 s10, s8;
	s4 =	smul.u32 $0xC80, s1  }
0xb: {  	s10 =	ssub.s32 s24, s11;
	s18 =	sshrl.u32 s18, $0x3;
	s8 =	sshrl.u32 s8, $0x3  }
0xc: {  	s24 =	simm.s32 $0x0;
	s20 =	sadd.s32 s20, s16;
	s8 =	sadd.s32 s8, s5  }
0xd: {  	s5 =	sadd.s32 $0x592800, s9;
	s15 =	sadd.s32 s4, s6;
	s6 =	sor.u32 $0x1C01, s25  }
0xe: {  	s7 =	sadd.s32 $0x1A9000, s8;
	s26 =	sadd.s32 $0xAAE60, s15;
	s8 =	smax.u32 s10, $0x1  }
0xf: {  	s28 =	sshrl.u32 s15, $0x3;
	s30 =	sadd.s32 $0x927C0, s15;
	s12 =	sadd.s32 $0x7A120, s15  }
0x10: {  	s13 =	sadd.s32 $0x61A80, s15;
	s14 =	sadd.s32 $0x493E0, s15;
	s19 =	sadd.s32 $0x30D40, s15  }
0x11: {  	s21 =	sadd.s32 $0x186A0, s15;
	s29 =	sshrl.u32 s26, $0x3;
	s9 =	sadd.s32 s28, s17  }
0x12: {  	s11 =	sshrl.u32 s30, $0x3;
	s12 =	sshrl.u32 s12, $0x3;
	s13 =	sshrl.u32 s13, $0x3  }
.Ltmp0:
0x13: {  	s14 =	sshrl.u32 s14, $0x3;
	s19 =	sshrl.u32 s19, $0x3;
	(pc) =	sbr.rel .LBB2_1-.Ltmp0, $4  }
0x14: {  	s31 =	sshrl.u32 s21, $0x3;
	s21 =	simm.s32 $0x80;
	s10 =	sadd.s32 s29, s17  }
0x15: {  	s11 =	sadd.s32 s11, s17;
	s12 =	sadd.s32 s12, s17;
	s13 =	sadd.s32 s13, s17  }
0x16: {  	s14 =	sadd.s32 s14, s17;
	s15 =	sadd.s32 s19, s17;
	s16 =	sadd.s32 s31, s17  }
0x17: {  	s17 =	sadd.s32 $0x22600, s20;
	s19 =	simm.s32 $0x1;
	s20 =	simm.s32 $0x10  }
.LBB2_5:
0x18: {  	s24 =	sadd.s32 $0x1, s24  }
0x19: {  	p0 =	sne.s32 s24, s8  }
.Ltmp1:
0x1a: {  	[bflag:$0x0] =	sbarrier.arrive $0xFFFF;
	(pc) =	sbr.rel @!p0 .LBB2_6-.Ltmp1, $4  }
0x1b: {  	[hbm:s7@s20], [sflag:s6] =	dma.strided [spmem:s18@s23], $0x186A, s19, $0x2   }
0x1c: {  	_ =	swait.ge [sflag:s19], $0x186A  }
0x1d: {  	[sflag:s19] =	ssyncset.done $0x0  }
0x1e: {  	[sflag:s19] =	ssyncadd.s32 $0xFFFFE796  }
.LBB2_1:
0x1f: {  	[spmem:s18], [sflag:s6] =	dma.local [hbm:s5], $0x186A  }
.Ltmp2:
0x20: {  	_ =	swait.ge [sflag:s19], $0x186A;
	(pc) =	sbr.rel .LBB2_2-.Ltmp2, $4  }
0x21: {  	[sflag:s19] =	ssyncset.done $0x0  }
0x22: {  	[sflag:s19] =	ssyncadd.s32 $0xFFFFE796  }
0x23: {  	[bflag:$0x0] =	sbarrier.arrive $0xFFFF  }
0x24: {  	s25 =	smov.u32 s4;
	s26 =	smov.u32 s17;
	s28 =	simm.s32 $0x0  }
.LBB2_4:
0x25: {  	s28 =	sadd.s32 $0x19, s28  }
0x26: {  	p0 =	sne.s32 s28, $0x190  }
.Ltmp3:
0x27: {  	_ = 	snop;
	(pc) =	sbr.rel @!p0 .LBB2_5-.Ltmp3, $2  }
0x28: {  	_ =	sdelay $0x2  }
0x29: {  	s26 =	sadd.s32 $0xC80, s26;
	s25 =	sadd.s32 $0xC8, s25  }
.LBB2_2:
0x2a: {  	p0 =	sgt.u32 s25, $0xC34F  }
.Ltmp4:
0x2b: {  	_ = 	snop;
	(pc) =	sbr.rel @p0 .LBB2_4-.Ltmp4, $1  }
0x2c: {  	_ =	sdelay $0x3  }
0x2d: {  	s29 =	sadd.s32 s28, s9  }
0x2e: {  	[tilespmem:s3], [sflag:$0x1] =	stream.linear.gather [hbm4b:s29+s3], $0xC8, $0x38;
	[tilespmem:$0xD098] =	vst v63  }
0x2f: {  	_ =	swait.ge [sflag:s19], $0xC8  }
0x30: {  	[sflag:s19] =	ssyncset.done $0x0  }
0x31: {  	[sflag:s19] =	ssyncadd.s32 $0xFFFFFF38  }
0x32: {  	[tilespmem:s22], [sflag:$0x1] =	stream.strided.gather [hbm4b:s26+s20], $0xC80, s21, s20, $0x38;
	[tilespmem:$0xD098] =	vst v63  }
0x33: {  	_ =	swait.ge [sflag:s19], $0xC80  }
0x34: {  	[sflag:s19] =	ssyncset.done $0x0  }
0x35: {  	[sflag:s19] =	ssyncadd.s32 $0xFFFFF380  }
0x36: {  	[spmem:s2] =	stream.indirect.scatter.add.f32 [tilespmem:s22], [sflag:$0x1], $0x10, s3, s22, $0xb8;
	[tilespmem:$0xD098] =	vst v63  }
0x37: {  	_ =	swait.ge [sflag:s19], $0xC80  }
0x38: {  	[sflag:s19] =	ssyncset.done $0x0  }
0x39: {  	s30 =	sadd.s32 s28, s16;
	[sflag:s19] =	ssyncadd.s32 $0xFFFFF380  }
0x3a: {  	[tilespmem:s3], [sflag:$0x1] =	stream.linear.gather [hbm4b:s30+s3], $0xC8, $0x38;
	[tilespmem:$0xD098] =	vst v63  }
0x3b: {  	_ =	swait.ge [sflag:s19], $0xC8  }
0x3c: {  	[sflag:s19] =	ssyncset.done $0x0  }
0x3d: {  	s31 =	sadd.s32 $0x2, s26;
	[sflag:s19] =	ssyncadd.s32 $0xFFFFFF38  }
0x3e: {  	[tilespmem:s22], [sflag:$0x1] =	stream.strided.gather [hbm4b:s31+s20], $0xC80, s21, s20, $0x38;
	[tilespmem:$0xD098] =	vst v63  }
0x3f: {  	_ =	swait.ge [sflag:s19], $0xC80  }
0x40: {  	[sflag:s19] =	ssyncset.done $0x0  }
0x41: {  	[sflag:s19] =	ssyncadd.s32 $0xFFFFF380  }
0x42: {  	[spmem:s2] =	stream.indirect.scatter.add.f32 [tilespmem:s22], [sflag:$0x1], $0x10, s3, s22, $0xb8;
	[tilespmem:$0xD098] =	vst v63  }
0x43: {  	_ =	swait.ge [sflag:s19], $0xC80  }
0x44: {  	[sflag:s19] =	ssyncset.done $0x0  }
0x45: {  	s30 =	sadd.s32 s28, s15;
	[sflag:s19] =	ssyncadd.s32 $0xFFFFF380  }
0x46: {  	[tilespmem:s3], [sflag:$0x1] =	stream.linear.gather [hbm4b:s30+s3], $0xC8, $0x38;
	[tilespmem:$0xD098] =	vst v63  }
0x47: {  	_ =	swait.ge [sflag:s19], $0xC8  }
0x48: {  	[sflag:s19] =	ssyncset.done $0x0  }
0x49: {  	s31 =	sadd.s32 $0x4, s26;
	[sflag:s19] =	ssyncadd.s32 $0xFFFFFF38  }
0x4a: {  	[tilespmem:s22], [sflag:$0x1] =	stream.strided.gather [hbm4b:s31+s20], $0xC80, s21, s20, $0x38;
	[tilespmem:$0xD098] =	vst v63  }
0x4b: {  	_ =	swait.ge [sflag:s19], $0xC80  }
0x4c: {  	[sflag:s19] =	ssyncset.done $0x0  }
0x4d: {  	[sflag:s19] =	ssyncadd.s32 $0xFFFFF380  }
0x4e: {  	[spmem:s2] =	stream.indirect.scatter.add.f32 [tilespmem:s22], [sflag:$0x1], $0x10, s3, s22, $0xb8;
	[tilespmem:$0xD098] =	vst v63  }
0x4f: {  	_ =	swait.ge [sflag:s19], $0xC80  }
0x50: {  	[sflag:s19] =	ssyncset.done $0x0  }
0x51: {  	s30 =	sadd.s32 s28, s14;
	[sflag:s19] =	ssyncadd.s32 $0xFFFFF380  }
0x52: {  	[tilespmem:s3], [sflag:$0x1] =	stream.linear.gather [hbm4b:s30+s3], $0xC8, $0x38;
	[tilespmem:$0xD098] =	vst v63  }
0x53: {  	_ =	swait.ge [sflag:s19], $0xC8  }
0x54: {  	[sflag:s19] =	ssyncset.done $0x0  }
0x55: {  	s31 =	sadd.s32 $0x6, s26;
	[sflag:s19] =	ssyncadd.s32 $0xFFFFFF38  }
0x56: {  	[tilespmem:s22], [sflag:$0x1] =	stream.strided.gather [hbm4b:s31+s20], $0xC80, s21, s20, $0x38;
	[tilespmem:$0xD098] =	vst v63  }
0x57: {  	_ =	swait.ge [sflag:s19], $0xC80  }
0x58: {  	[sflag:s19] =	ssyncset.done $0x0  }
0x59: {  	[sflag:s19] =	ssyncadd.s32 $0xFFFFF380  }
0x5a: {  	[spmem:s2] =	stream.indirect.scatter.add.f32 [tilespmem:s22], [sflag:$0x1], $0x10, s3, s22, $0xb8;
	[tilespmem:$0xD098] =	vst v63  }
0x5b: {  	_ =	swait.ge [sflag:s19], $0xC80  }
0x5c: {  	[sflag:s19] =	ssyncset.done $0x0  }
0x5d: {  	s30 =	sadd.s32 s28, s13;
	[sflag:s19] =	ssyncadd.s32 $0xFFFFF380  }
0x5e: {  	[tilespmem:s3], [sflag:$0x1] =	stream.linear.gather [hbm4b:s30+s3], $0xC8, $0x38;
	[tilespmem:$0xD098] =	vst v63  }
0x5f: {  	_ =	swait.ge [sflag:s19], $0xC8  }
0x60: {  	[sflag:s19] =	ssyncset.done $0x0  }
0x61: {  	s31 =	sadd.s32 $0x8, s26;
	[sflag:s19] =	ssyncadd.s32 $0xFFFFFF38  }
0x62: {  	[tilespmem:s22], [sflag:$0x1] =	stream.strided.gather [hbm4b:s31+s20], $0xC80, s21, s20, $0x38;
	[tilespmem:$0xD098] =	vst v63  }
0x63: {  	_ =	swait.ge [sflag:s19], $0xC80  }
0x64: {  	[sflag:s19] =	ssyncset.done $0x0  }
0x65: {  	[sflag:s19] =	ssyncadd.s32 $0xFFFFF380  }
0x66: {  	[spmem:s2] =	stream.indirect.scatter.add.f32 [tilespmem:s22], [sflag:$0x1], $0x10, s3, s22, $0xb8;
	[tilespmem:$0xD098] =	vst v63  }
0x67: {  	_ =	swait.ge [sflag:s19], $0xC80  }
0x68: {  	[sflag:s19] =	ssyncset.done $0x0  }
0x69: {  	s30 =	sadd.s32 s28, s12;
	[sflag:s19] =	ssyncadd.s32 $0xFFFFF380  }
0x6a: {  	[tilespmem:s3], [sflag:$0x1] =	stream.linear.gather [hbm4b:s30+s3], $0xC8, $0x38;
	[tilespmem:$0xD098] =	vst v63  }
0x6b: {  	_ =	swait.ge [sflag:s19], $0xC8  }
0x6c: {  	[sflag:s19] =	ssyncset.done $0x0  }
0x6d: {  	s31 =	sadd.s32 $0xA, s26;
	[sflag:s19] =	ssyncadd.s32 $0xFFFFFF38  }
0x6e: {  	[tilespmem:s22], [sflag:$0x1] =	stream.strided.gather [hbm4b:s31+s20], $0xC80, s21, s20, $0x38;
	[tilespmem:$0xD098] =	vst v63  }
0x6f: {  	_ =	swait.ge [sflag:s19], $0xC80  }
0x70: {  	[sflag:s19] =	ssyncset.done $0x0  }
0x71: {  	[sflag:s19] =	ssyncadd.s32 $0xFFFFF380  }
0x72: {  	[spmem:s2] =	stream.indirect.scatter.add.f32 [tilespmem:s22], [sflag:$0x1], $0x10, s3, s22, $0xb8;
	[tilespmem:$0xD098] =	vst v63  }
0x73: {  	_ =	swait.ge [sflag:s19], $0xC80  }
0x74: {  	[sflag:s19] =	ssyncset.done $0x0  }
0x75: {  	s30 =	sadd.s32 s28, s11;
	[sflag:s19] =	ssyncadd.s32 $0xFFFFF380  }
0x76: {  	[tilespmem:s3], [sflag:$0x1] =	stream.linear.gather [hbm4b:s30+s3], $0xC8, $0x38;
	[tilespmem:$0xD098] =	vst v63  }
0x77: {  	_ =	swait.ge [sflag:s19], $0xC8  }
0x78: {  	[sflag:s19] =	ssyncset.done $0x0  }
0x79: {  	s31 =	sadd.s32 $0xC, s26;
	[sflag:s19] =	ssyncadd.s32 $0xFFFFFF38  }
0x7a: {  	[tilespmem:s22], [sflag:$0x1] =	stream.strided.gather [hbm4b:s31+s20], $0xC80, s21, s20, $0x38;
	[tilespmem:$0xD098] =	vst v63  }
0x7b: {  	_ =	swait.ge [sflag:s19], $0xC80  }
0x7c: {  	[sflag:s19] =	ssyncset.done $0x0  }
0x7d: {  	[sflag:s19] =	ssyncadd.s32 $0xFFFFF380  }
0x7e: {  	[spmem:s2] =	stream.indirect.scatter.add.f32 [tilespmem:s22], [sflag:$0x1], $0x10, s3, s22, $0xb8;
	[tilespmem:$0xD098] =	vst v63  }
0x7f: {  	_ =	swait.ge [sflag:s19], $0xC80  }
0x80: {  	[sflag:s19] =	ssyncset.done $0x0  }
0x81: {  	s30 =	sadd.s32 s28, s10;
	[sflag:s19] =	ssyncadd.s32 $0xFFFFF380  }
0x82: {  	[tilespmem:s3], [sflag:$0x1] =	stream.linear.gather [hbm4b:s30+s3], $0xC8, $0x38;
	[tilespmem:$0xD098] =	vst v63  }
0x83: {  	_ =	swait.ge [sflag:s19], $0xC8  }
0x84: {  	[sflag:s19] =	ssyncset.done $0x0  }
0x85: {  	s31 =	sadd.s32 $0xE, s26;
	[sflag:s19] =	ssyncadd.s32 $0xFFFFFF38  }
0x86: {  	[tilespmem:s22], [sflag:$0x1] =	stream.strided.gather [hbm4b:s31+s20], $0xC80, s21, s20, $0x38;
	[tilespmem:$0xD098] =	vst v63  }
0x87: {  	_ =	swait.ge [sflag:s19], $0xC80  }
0x88: {  	[sflag:s19] =	ssyncset.done $0x0  }
.Ltmp5:
0x89: {  	[sflag:s19] =	ssyncadd.s32 $0xFFFFF380;
	(pc) =	sbr.rel .LBB2_4-.Ltmp5, $4  }
0x8a: {  	[spmem:s2] =	stream.indirect.scatter.add.f32 [tilespmem:s22], [sflag:$0x1], $0x10, s3, s22, $0xb8;
	[tilespmem:$0xD098] =	vst v63  }
0x8b: {  	_ =	swait.ge [sflag:s19], $0xC80  }
0x8c: {  	[sflag:s19] =	ssyncset.done $0x0  }
0x8d: {  	[sflag:s19] =	ssyncadd.s32 $0xFFFFF380  }
.LBB2_6:
0x8e: {  	_ =	sfence.sel $0x180000  }
0x8f: {  	[bflag:$0x0] =	sbarrier.arrive $0xFFFF  }
0x90: {  	p0 =	sne.s32 s1, $0x0;
	_ =	strace $0x9000004A  }
0x91: {  	s0 =	sadd.s32 @!p0 $0x100000, s0;
	[bflag:$0x2] =	sbarrier.arrive $0xFFFF  }
0x92: {  	[sflag:s0] =	ssyncadd.tile.s32 @!p0 $0x1;
	_ =	shalt  }
.Lfunc_end2:
_tile_overlayer_lowered:
.L_overlay_start_2:
0x93: {  	(tag) =	ssettag $0x2  }
0x94: {  	s0 =	rddreg [dreg:$0x0];
	s2 =	stileid.u32  }
0x95: {  	s1 =	rddreg [dreg:$0x1];
	p0 =	sne.s32 s2, $0x0  }
0x96: {  	s3 =	rddreg [dreg:$0x2];
	[bflag:$0x3] =	sbarrier.arrive $0xFFFF;
	s2 =	simm.s32 @!p0 $0x1C01  }
0x97: {  	[timem:s3], [sflag:s2] =	dma.local @!p0 [hbm:s0], s1  }
0x98: {  	s0 =	simm.s32 @!p0 $0x1  }
0x99: {  	_ =	swait.ge @!p0 [sflag:s0], s1  }
0x9a: {  	s1 =	ssub.s32 @!p0 $0x0, s1;
	[sflag:s0] =	ssyncset.done @!p0 $0x0  }
0x9b: {  	[sflag:s0] =	ssyncadd.s32 @!p0 s1  }
0x9c: {  	[bflag:$0x3] =	sbarrier.arrive $0xFFFF  }
0x9d: {  	_ =	shalt  }

// kernel: kernel.8.cloned.1.call-start
scs
__scs_entry_jumppad:
0x0: {  	(pc) =	sbr.rel $0x88, $3  }
0x1: {  	(tag) =	ssettag $0x0;
	lr =	simm.s32 $0x1  }
0x2: {  	[smem:$0x3F66] =	sst lr;
	_ =	strace $0xD0000000  }
0x3: {  	_ = 	snop  }
0x4: {  	_ = 	snop  }
0x5: {  	_ = 	snop  }
0x6: {  	_ = 	snop  }
0x7: {  	_ = 	snop  }
__scs_overlays_trampoline_lowered:
0x8: {  	[smem:$0x3F75] =	sst s0  }
0x9: {  	[smem:$0x3F76] =	sst s1  }
0xa: {  	[smem:$0x3F77] =	sst s2  }
0xb: {  	[smem:$0x3F78] =	sst s3  }
0xc: {  	[smem:$0x3F79] =	sst s4  }
0xd: {  	[smem:$0x3F7A] =	sst s5  }
0xe: {  	[smem:$0x3F7B] =	sst s6  }
0xf: {  	[smem:$0x3F7C] =	sst s7  }
0x10: {  	[smem:$0x3F7D] =	sst s8  }
0x11: {  	[smem:$0x3F7E] =	sst s9;
	s0 =	simm.s32 @!p0 $0x0  }
0x12: {  	s1 =	sld [smem:$0x3F64];
	s0 =	simm.s32 @p0 $0x1  }
0x13: {  	[smem:$0x3F7F] =	sst s0;
	s0 =	simm.s32 @!p1 $0x0  }
0x14: {  	s2 =	sld [smem:$0x3F63];
	s0 =	simm.s32 @p1 $0x1  }
0x15: {  	[smem:$0x3F80] =	sst s0;
	s0 =	simm.s32 @!p2 $0x0  }
0x16: {  	s3 =	sld [smem:$0x3FDB];
	s0 =	simm.s32 @p2 $0x1  }
0x17: {  	s4 =	simm.s32 $0x1BF5;
	[smem:$0x3F82] =	sst s0  }
0x18: {  	s0 =	sld [smem:$0x3F65];
	_ =	swait.ge [sflag:s4], $0x0  }
0x19: {  	s7 =	sld [smem:$0x3F66]  }
0x1a: {  	s8 =	sadd.s32 $0xFFFFE003, lr  }
0x1b: {  	s9 =	sadd.s32 $0xFFFFFEF7, lr;
	s5 =	simm.s32 $0xFFFFFFFF;
	p2 =	slt.u32 s8, $0xFFFFF086  }
0x1c: {  	p1 =	slt.u32 s9, $0xF7A;
	s5 =	simm.s32 @!p2 $0x0  }
0x1d: {  	s5 =	simm.s32 @p1 $0x1;
	p0 =	seq.s32 s7, s2  }
0x1e: {  	s7 =	smul.u32 @!p0 $0xF7A, s2;
	p2 =	seq.s32 @!p0 s5, $0x0  }
0x1f: {  	s9 =	smul.u32 $0xF7A, s1;
	s8 =	simm.s32 @!p0 $0x1BF5;
	p2 =	por !p2, p0  }
0x20: {  	[sflag:s8] =	ssyncset.s32 @!p0 $0xFFFFF086;
	s6 =	sadd.s32 @!p0 s3, s7;
	s7 =	simm.s32 @!p0 $0x108  }
0x21: {  	s3 =	sadd.s32 s3, s9;
	s6 =	sadd.s32 @!p0 $0x88, s6;
	s7 =	simm.s32 @p2 $0x1082  }
0x22: {  	[simem:s7], [sflag:s8] =	dma.local @!p0 [hbm:s6], $0xF7A  }
0x23: {  	s9 =	sor.u32 $0xD0000000, s2;
	s6 =	simm.s32 $0x108;
	_ =	swait.ge @!p0 [sflag:s8], $0x0  }
0x24: {  	s3 =	sadd.s32 $0x88, s3;
	s6 =	simm.s32 @!p1 $0x1082;
	[sflag:s4] =	ssyncset.s32 $0xFFFFF086  }
0x25: {  	[simem:s6], [sflag:s4] =	dma.local [hbm:s3], $0xF7A  }
0x26: {  	[smem:$0x3F66] =	sst s1;
	(tag) =	ssettag s2;
	_ =	strace s9  }
0x27: {  	s1 =	sld [smem:$0x3F76]  }
0x28: {  	s2 =	sld [smem:$0x3F77]  }
0x29: {  	s4 =	sld [smem:$0x3F79]  }
0x2a: {  	p0 =	seq.s32 s5, $0x0;
	s5 =	sld [smem:$0x3F7A]  }
0x2b: {  	s6 =	sld [smem:$0x3F7B]  }
0x2c: {  	s7 =	sld [smem:$0x3F7C]  }
0x2d: {  	s3 =	simm.s32 $0x108;
	s8 =	sld [smem:$0x3F7D]  }
0x2e: {  	s3 =	simm.s32 @!p0 $0x1082;
	s9 =	sld [smem:$0x3F7E]  }
0x2f: {  	lr =	sadd.s32 s0, s3;
	s0 =	sld [smem:$0x3F75]  }
0x30: {  	s3 =	sld [smem:$0x3F78]  }
0x31: {  	[smem:$0x3F81] =	sst s10  }
0x32: {  	s10 =	sld [smem:$0x3F7F];
	_ =	sdelay $0x3  }
0x33: {  	p0 =	seq.s32 s10, $0x1;
	s10 =	sld [smem:$0x3F81];
	_ =	sdelay $0x3  }
0x34: {  	[smem:$0x3F81] =	sst s10  }
0x35: {  	s10 =	sld [smem:$0x3F80];
	_ =	sdelay $0x3  }
0x36: {  	p1 =	seq.s32 s10, $0x1;
	s10 =	sld [smem:$0x3F81];
	_ =	sdelay $0x3  }
0x37: {  	[smem:$0x3F81] =	sst s10  }
0x38: {  	s10 =	sld [smem:$0x3F82]  }
0x39: {  	_ = 	snop;
	(pc) =	sbr.ind lr, $3  }
0x3a: {  	_ = 	snop  }
0x3b: {  	_ = 	snop  }
0x3c: {  	p2 =	seq.s32 s10, $0x1;
	s10 =	sld [smem:$0x3F81]  }
0x3d: {  	_ =	shalt  }
0x3e: {  	_ =	shalt  }
0x3f: {  	_ =	shalt  }
0x40: {  	_ =	shalt  }
0x41: {  	_ =	shalt  }
0x42: {  	_ =	shalt  }
0x43: {  	_ =	shalt  }
0x44: {  	_ =	shalt  }
0x45: {  	_ =	shalt  }
0x46: {  	_ =	shalt  }
0x47: {  	_ =	shalt  }
0x48: {  	_ =	shalt  }
0x49: {  	_ =	shalt  }
0x4a: {  	_ =	shalt  }
0x4b: {  	_ =	shalt  }
0x4c: {  	_ =	shalt  }
0x4d: {  	_ =	shalt  }
0x4e: {  	_ =	shalt  }
0x4f: {  	_ =	shalt  }
0x50: {  	_ =	shalt  }
0x51: {  	_ =	shalt  }
0x52: {  	_ =	shalt  }
0x53: {  	_ =	shalt  }
0x54: {  	_ =	shalt  }
0x55: {  	_ =	shalt  }
0x56: {  	_ =	shalt  }
0x57: {  	_ =	shalt  }
0x58: {  	_ =	shalt  }
0x59: {  	_ =	shalt  }
0x5a: {  	_ =	shalt  }
0x5b: {  	_ =	shalt  }
0x5c: {  	_ =	shalt  }
0x5d: {  	_ =	shalt  }
0x5e: {  	_ =	shalt  }
0x5f: {  	_ =	shalt  }
0x60: {  	_ =	shalt  }
0x61: {  	_ =	shalt  }
0x62: {  	_ =	shalt  }
0x63: {  	_ =	shalt  }
0x64: {  	_ =	shalt  }
0x65: {  	_ =	shalt  }
0x66: {  	_ =	shalt  }
0x67: {  	_ =	shalt  }
0x68: {  	_ =	shalt  }
0x69: {  	_ =	shalt  }
0x6a: {  	_ =	shalt  }
0x6b: {  	_ =	shalt  }
0x6c: {  	_ =	shalt  }
0x6d: {  	_ =	shalt  }
0x6e: {  	_ =	shalt  }
0x6f: {  	_ =	shalt  }
0x70: {  	_ =	shalt  }
0x71: {  	_ =	shalt  }
0x72: {  	_ =	shalt  }
0x73: {  	_ =	shalt  }
0x74: {  	_ =	shalt  }
0x75: {  	_ =	shalt  }
0x76: {  	_ =	shalt  }
0x77: {  	_ =	shalt  }
0x78: {  	_ =	shalt  }
0x79: {  	_ =	shalt  }
0x7a: {  	_ =	shalt  }
0x7b: {  	_ =	shalt  }
0x7c: {  	_ =	shalt  }
0x7d: {  	_ =	shalt  }
0x7e: {  	_ =	shalt  }
0x7f: {  	_ =	shalt  }
0x80: {  	_ =	shalt  }
0x81: {  	_ =	shalt  }
0x82: {  	_ =	shalt  }
0x83: {  	_ =	shalt  }
0x84: {  	_ =	shalt  }
0x85: {  	_ =	shalt  }
0x86: {  	_ =	shalt  }
0x87: {  	_ =	shalt  }
.Lfunc_end0:
.L_simem_size_0:
called_computation_lowered:
.L_overlay_start_0:
0x88: {  	s2 =	sld [smem:$0x3FD9]  }
0x89: {  	s3 =	sld [smem:$0x3FFE];
	_ =	sdelay $0x1  }
0x8a: {  	s1 =	srdreg.scid  }
0x8b: {  	s0 =	sand.u32 $0x1, s1  }
0x8c: {  	s17 =	sshll.u32 s0, $0xA;
	s2 =	sadd.s32 s3, s2  }
0x8d: {  	s2 =	sadd.s32 s2, s17  }
0x8e: {  	[smem:$0x3F8D] =	sst s2  }
0x8f: {  	_ = 	snop  }
0x90: {  	s2 =	sld [smem:$0x3FD0];
	(tm) =	ssettm $0x1  }
0x91: {  	s18 =	sld [smem:$0x3FFB];
	_ =	sdelay $0x3  }
0x92: {  	_ =	strace s18  }
0x93: {  	s3 =	sld [smem:$0x3FFC];
	_ =	sdelay $0x3  }
0x94: {  	_ =	strace s3  }
0x95: {  	s3 =	sld [smem:$0x3FFD];
	_ =	sdelay $0x3  }
0x96: {  	_ =	strace s3  }
0x97: {  	_ =	strace $0x8FFFFFFF  }
0x98: {  	s19 =	sld [smem:$0x3FDB];
	_ =	sdelay $0x1  }
0x99: {  	s4 =	simm.s32 $_scs_section_size  }
0x9a: {  	s5 =	simm.s32 $_size__tile_overlayer_lowered;
	s6 =	simm.s32 $_tile_overlayer_lowered  }
0x9b: {  	s22 =	simm.s32 $0x1BFF;
	s21 =	sshll.u32 s6, $0x1;
	s3 =	sadd.s32 s4, s19  }
0x9c: {  	s7 =	simm.s32 $0x0;
	s20 =	sshll.u32 s5, $0x1;
	s5 =	sadd.s32 s21, s3  }
0x9d: {  	[timem:s7], [sflag:s22] =	dma.local [hbm:s5], s20  }
0x9e: {  	_ =	swait.ge [sflag:s22], s20  }
0x9f: {  	s4 =	ssub.s32 $0x0, s20;
	[sflag:s22] =	ssyncset.done $0x0  }
0xa0: {  	[sflag:s22] =	ssyncadd.s32 s4;
	_ =	sdelay $0x1  }
0xa1: {  	s23 =	simm.s32 $0x1B8B  }
0xa2: {  	_ =	swait.ge [sflag:s23], $0x1  }
0xa3: {  	[sflag:s23] =	ssyncset.done $0x0  }
0xa4: {  	s25 =	simm.s32 $0x1B8E;
	s24 =	sld [smem:$0x3FFE];
	[sflag:s23] =	ssyncadd.s32 $0xFFFFFFFF  }
0xa5: {  	s26 =	simm.s32 $execute0_lowered;
	[smem:$0x3FD2] =	sst s25  }
0xa6: {  	s5 =	sshll.u32 s26, $0x1;
	_ =	strace $0x80000046;
	[dreg:$0x1] =	wrdreg $0xFFFFFFFF  }
0xa7: {  	s28 =	simm.s32 $_size_execute0_lowered;
	s3 =	sadd.s32 s3, s5;
	[dreg:$0x0] =	wrdreg $0x0  }
0xa8: {  	s5 =	sshll.u32 s28, $0x1;
	[dreg:$0x2] =	wrdreg s3  }
0xa9: {  	[dreg:$0x3] =	wrdreg s5  }
0xaa: {  	[dreg:$0x4] =	wrdreg $0xC0  }
0xab: {  	_ =	task [dreg:s7], $0x5FFFF  }
0xac: {  	[dreg:$0x1] =	wrdreg $0xFFFFFFFF  }
0xad: {  	[dreg:$0x0] =	wrdreg $0x60  }
0xae: {  	[dreg:$0x2] =	wrdreg s24  }
0xaf: {  	[dreg:$0x3] =	wrdreg s2  }
0xb0: {  	[dreg:$0x4] =	wrdreg $0x9  }
0xb1: {  	_ =	task.clear_ibuf [dreg:s7], $0x5FFFF;
	_ =	strace $0x90000046  }
0xb2: {  	s29 =	simm.s32 $0x9;
	_ =	strace $0x80000048  }
0xb3: {  	_ =	swait.ge [sflag:s29], $0x1  }
0xb4: {  	[sflag:s29] =	ssyncadd.s32 $0xFFFFFFFF  }
0xb5: {  	_ =	strace $0x90000048  }
0xb6: {  	_ =	sfence  }
0xb7: {  	s30 =	sld [smem:$0x0];
	_ =	sdelay $0x2  }
0xb8: {  	s31 =	sshll.u32 s1, $0xD;
	s1 =	sshrl.u32 s1, $0x2  }
0xb9: {  	s3 =	sand.u32 $0x4000, s31;
	s1 =	sadd.s32 s1, s30  }
0xba: {  	s0 =	sor.u32 s3, s0;
	s1 =	sshll.u32 s1, $0x11  }
0xbb: {  	s0 =	sor.u32 s1, s0  }
0xbc: {  	s0 =	sadd.s32 $0x8F2B, s0  }
0xbd: {  	[sflag:s0] =	ssyncadd.remote.s32 $0x1  }
0xbe: {  	_ =	sfence.sel $0xFFFF  }
0xbf: {  	[dreg:$0x0] =	wrdreg $0xFFFFFFFF;
	(pc) =	sbr.abs _section_cstart, $3  }
0xc0: {  	[dreg:$0x1] =	wrdreg $0xFFFFFFFF  }
0xc1: {  	_ =	task.clear_ibuf [dreg:s7], $0x2FFFF;
	_ =	strace $0x9FFFFFFF  }
0xc2: {  	(tm) =	ssettm $0x7FFFFFFF  }
0xc3: {  	_ =	shalt  }
tec
execute0_lowered:
.L_overlay_start_1:
0x0: {  	(tag) =	ssettag $0x1  }
0x1: {  	s7 =	rddreg [dreg:$0x0]  }
0x2: {  	s1 =	rddreg [dreg:$0x1]  }
0x3: {  	s0 =	rddreg [dreg:$0x2]  }
0x4: {  	s2 =	simm.s32 $0x0;
	s4 =	srdreg.scid;
	s11 =	simm.s32 $0xC8  }
0x5: {  	s12 =	simm.s32 $0x190;
	s13 =	simm.s32 $0x6590;
	s14 =	simm.s32 $0x1  }
0x6: {  	s15 =	simm.s32 $0x2;
	s16 =	simm.s32 $0x0;
	[smem:$0x7FF] =	sst s2  }
0x7: {  	s3 =	sadd.s32 $0xCD400, s7;
	s8 =	sand.u32 $0x1, s4;
	s5 =	sadd.s32 $0x57A000, s7  }
0x8: {  	s6 =	sadd.s32 $0x561800, s7;
	s4 =	stileid.u32;
	s9 =	ssub.s32 $0x2, s8  }
0x9: {  	s7 =	sadd.s32 $0x7DCA00, s7;
	s8 =	sshll.u32 s8, $0x4;
	s10 =	sshrl.u32 s9, $0x1  }
0xa: {  	_ =	strace $0x80000047;
	s8 =	sor.u32 s4, s8;
	s9 =	ssub.s32 s9, s10  }
0xb: {  	s8 =	smul.u32 $0x61A8, s8;
	s10 =	simm.s32 $0x3;
	s9 =	smax.u32 s9, $0x1  }
.LBB2_1:
0xc: {  	s17 =	simm.s32 $0x0  }
.LBB2_2:
0xd: {  	s18 =	smul.u32 $0xC8, s17;
	_ =	sdelay $0x1  }
0xe: {  	s18 =	sadd.s32 s8, s18  }
0xf: {  	s19 =	sshrl.u32 s18, $0x3  }
0x10: {  	s21 =	simm.s32 $0x0;
	s20 =	sadd.s32 s5, s19  }
0x11: {  	[tilespmem:s21], [sflag:$0x3] =	stream.linear.gather [hbm4b:s20+s21], $0xC8, $0x38;
	[tilespmem:$0x7210] =	vst v63  }
0x12: {  	_ =	swait.ge [sflag:s10], $0xC8  }
0x13: {  	[sflag:s10] =	ssyncset.done $0x0  }
0x14: {  	s19 =	sadd.s32 s6, s19;
	[sflag:s10] =	ssyncadd.s32 $0xFFFFFF38  }
0x15: {  	[tilespmem:s11], [sflag:$0x3] =	stream.linear.gather [hbm4b:s19+s21], $0xC8, $0x38;
	[tilespmem:$0x7210] =	vst v63  }
0x16: {  	_ =	swait.ge [sflag:s10], $0xC8  }
0x17: {  	[sflag:s10] =	ssyncset.done $0x0  }
0x18: {  	[sflag:s10] =	ssyncadd.s32 $0xFFFFFF38  }
0x19: {  	[tilespmem:s12], [sflag:$0x1] =	stream.indirect.gather [hbm4b:s3+s11], $0x80, s21, s11, $0xb8;
	[tilespmem:$0x7210] =	vst v63  }
0x1a: {  	_ = 	snop  }
0x1b: {  	[tilespmem:s13], [sflag:$0x2] =	stream.indirect.gather [hbm4b:s1+s11], $0x10, s11, s11, $0xb8;
	[tilespmem:$0x7210] =	vst v63  }
0x1c: {  	_ =	swait.ge [sflag:s14], $0x6400  }
0x1d: {  	[sflag:s14] =	ssyncset.done $0x0  }
0x1e: {  	[sflag:s14] =	ssyncadd.s32 $0xFFFF9C00  }
0x1f: {  	_ =	swait.ge [sflag:s15], $0xC80  }
0x20: {  	[sflag:s15] =	ssyncset.done $0x0  }
0x21: {  	s19 =	simm.s32 $0x1E0;
	[sflag:s15] =	ssyncadd.s32 $0xFFFFF380  }
0x22: {  	s22 =	simm.s32 $0x0;
	s20 =	simm.s32 $0x1E0;
	s21 =	simm.s32 $0x40;
	v0 =	vld [tilespmem:s19+$0xFFFFFFF0]  }
.LBB2_3:
0x23: {  	p0 =	sne.s32 s21, $0x31C0;
	v1 =	vld [tilespmem:s22+$0x6590];
	_ =	sdelay $0x2  }
.Ltmp0:
0x24: {  	(pc) =	sbr.rel @p0 .LBB2_3-.Ltmp0, $4  }
0x25: {  	_ = 	snop  }
0x26: {  	v1 =	vmul.f32 v0, v1  }
0x27: {  	s19 =	sadd.s32 $0x80, s19  }
0x28: {  	s22 =	sshra.s32 s21, $0x2;
	s21 =	sadd.s32 $0x40, s21;
	v0 =	vld [tilespmem:s19+$0xFFFFFFF0];
	[tilespmem:s20+$0x0] =	vst v1;
	s20 =	smov.u32 s19  }
0x29: {  	v1 =	vld [tilespmem:s22+$0x6590];
	_ =	sdelay $0x4  }
0x2a: {  	s17 =	sadd.s32 $0x1, s17;
	v0 =	vmul.f32 v0, v1  }
0x2b: {  	s18 =	sshll.u32 s18, $0x4;
	p0 =	sne.s32 s17, $0x7D  }
.Ltmp1:
0x2c: {  	s18 =	sadd.s32 s7, s18;
	[tilespmem:s20+$0x0] =	vst v0;
	(pc) =	sbr.rel @p0 .LBB2_2-.Ltmp1, $4  }
0x2d: {  	[hbm4b:s18+s2] =	stream.linear.scatter [tilespmem:s12], [sflag:$0x3], $0x6400, $0x38;
	[tilespmem:$0x7210] =	vst v63  }
0x2e: {  	_ =	swait.ge [sflag:s10], $0x6400  }
0x2f: {  	[sflag:s10] =	ssyncset.done $0x0  }
0x30: {  	[sflag:s10] =	ssyncadd.s32 $0xFFFF9C00  }
0x31: {  	s16 =	sadd.s32 $0x1, s16  }
0x32: {  	p0 =	sne.s32 s16, s9  }
.Ltmp2:
0x33: {  	_ = 	snop;
	(pc) =	sbr.rel @p0 .LBB2_1-.Ltmp2, $1  }
0x34: {  	_ =	sdelay $0x3  }
0x35: {  	_ =	sfence.sel $0x180000  }
0x36: {  	[bflag:$0x0] =	sbarrier.arrive $0xFFFF  }
0x37: {  	p0 =	sne.s32 s4, $0x0;
	_ =	strace $0x90000047  }
0x38: {  	s0 =	sadd.s32 @!p0 $0x100000, s0;
	[bflag:$0x2] =	sbarrier.arrive $0xFFFF  }
0x39: {  	[sflag:s0] =	ssyncadd.tile.s32 @!p0 $0x1;
	_ =	shalt  }
.Lfunc_end2:
_tile_overlayer_lowered:
.L_overlay_start_2:
0x3a: {  	(tag) =	ssettag $0x2  }
0x3b: {  	s0 =	rddreg [dreg:$0x0];
	s2 =	stileid.u32  }
0x3c: {  	s1 =	rddreg [dreg:$0x1];
	p0 =	sne.s32 s2, $0x0  }
0x3d: {  	s3 =	rddreg [dreg:$0x2];
	[bflag:$0x3] =	sbarrier.arrive $0xFFFF;
	s2 =	simm.s32 @!p0 $0x1C03  }
0x3e: {  	[timem:s3], [sflag:s2] =	dma.local @!p0 [hbm:s0], s1  }
0x3f: {  	s0 =	simm.s32 @!p0 $0x3  }
0x40: {  	_ =	swait.ge @!p0 [sflag:s0], s1  }
0x41: {  	s1 =	ssub.s32 @!p0 $0x0, s1;
	[sflag:s0] =	ssyncset.done @!p0 $0x0  }
0x42: {  	[sflag:s0] =	ssyncadd.s32 @!p0 s1  }
0x43: {  	[bflag:$0x3] =	sbarrier.arrive $0xFFFF  }
0x44: {  	_ =	shalt  }

</sc_bundles>
